<compile_context>
chip_gen: v7x
topology: tpu7x:2x2x1
jax: 0.10.2.dev20260603
libtpu: 0.0.44.dev20260713+nightly
codegen_flags: <defaults>
</compile_context>

<pallas_src>
import functools

import jax
import jax.numpy as jnp
from jax import lax
from jax.experimental import pallas as pl
from jax.experimental.pallas import tpu as pltpu
from jax.experimental.pallas import tpu_sc as plsc

N_LIT = 10000
N_CL = 10000
N_EDGE = 320000
F = 128
FA = F + 16

NC = 2
NS = 16
NW = NC * NS
E_PER_W = N_EDGE // NW
CHUNK = 80
N_CHUNK = 125
E_PAD_W = N_CHUNK * CHUNK - E_PER_W
N_PAD = 10240
ROWS_PER_SUB = N_PAD // NS
DUMP_ROW = N_PAD - 8

ROW_BLK = 1000



def _lin1_body(x_ref, w_ref, b_ref, o_ref):
    mm = jnp.dot(x_ref[...], w_ref[...], preferred_element_type=jnp.float32)
    wh = mm + b_ref[...]
    ones = jnp.ones((wh.shape[0], FA - F), jnp.float32)
    o_ref[...] = jnp.concatenate([wh, ones], axis=1)


def _tc_lin1(x, w, b):
    n = x.shape[0]
    return pl.pallas_call(
        _lin1_body,
        grid=(n // ROW_BLK,),
        in_specs=[
            pl.BlockSpec((ROW_BLK, F), lambda i: (i, 0)),
            pl.BlockSpec((F, F), lambda i: (0, 0)),
            pl.BlockSpec((1, F), lambda i: (0, 0)),
        ],
        out_specs=pl.BlockSpec((ROW_BLK, FA), lambda i: (i, 0)),
        out_shape=jax.ShapeDtypeStruct((n, FA), jnp.float32),
    )(x, w, b.reshape(1, F))


def _mid_body(acc_ref, xc_ref, w_ref, b_ref, o_ref):
    a = acc_ref[0] + acc_ref[1]
    s = a[:, :F]
    deg = a[:, F:F + 1]
    cembs = jnp.maximum(s / jnp.maximum(deg, 1.0), 0.0)
    w_main = w_ref[:F, :]
    w_last = w_ref[F:F + 1, :]
    mm = jnp.dot(cembs, w_main, preferred_element_type=jnp.float32)
    wh = mm + xc_ref[...] * w_last + b_ref[...]
    ones = jnp.ones((wh.shape[0], FA - F), jnp.float32)
    o_ref[...] = jnp.concatenate([wh, ones], axis=1)


def _tc_mid(acc, x_clause, w, b):
    n = x_clause.shape[0]
    return pl.pallas_call(
        _mid_body,
        grid=(n // ROW_BLK,),
        in_specs=[
            pl.BlockSpec((2, ROW_BLK, FA), lambda i: (0, i, 0)),
            pl.BlockSpec((ROW_BLK, 1), lambda i: (i, 0)),
            pl.BlockSpec((F + 1, F), lambda i: (0, 0)),
            pl.BlockSpec((1, F), lambda i: (0, 0)),
        ],
        out_specs=pl.BlockSpec((ROW_BLK, FA), lambda i: (i, 0)),
        out_shape=jax.ShapeDtypeStruct((n, FA), jnp.float32),
    )(acc, x_clause, w, b.reshape(1, F))


def _final_body(acc_ref, o_ref):
    a = acc_ref[0] + acc_ref[1]
    s = a[:, :F]
    deg = a[:, F:F + 1]
    o_ref[...] = jnp.maximum(s / jnp.maximum(deg, 1.0), 0.0)


def _tc_final(acc):
    n = N_LIT
    return pl.pallas_call(
        _final_body,
        grid=(n // ROW_BLK,),
        in_specs=[pl.BlockSpec((2, ROW_BLK, FA), lambda i: (0, i, 0))],
        out_specs=pl.BlockSpec((ROW_BLK, F), lambda i: (i, 0)),
        out_shape=jax.ShapeDtypeStruct((n, F), jnp.float32),
    )(acc)



def _sc_aggregate(wh, g_idx, s_idx, zeros):
    mesh = plsc.VectorSubcoreMesh(core_axis_name="c", subcore_axis_name="s")

    @functools.partial(
        pl.kernel,
        mesh=mesh,
        out_type=jax.ShapeDtypeStruct((NC, N_PAD, FA), jnp.float32),
        scratch_types=[
            pltpu.VMEM((N_CHUNK, CHUNK), jnp.int32),
            pltpu.VMEM((N_CHUNK, CHUNK), jnp.int32),
            pltpu.VMEM((CHUNK, FA), jnp.float32),
            pltpu.VMEM_SHARED((N_PAD, FA), jnp.float32),
            pltpu.SemaphoreType.DMA,
            pltpu.SemaphoreType.DMA,
        ],
        compiler_params=pltpu.CompilerParams(use_tc_tiling_on_sc=False),
    )
    def k(wh_hbm, gi_hbm, si_hbm, z_hbm, out_hbm,
          gi_v, si_v, rows_v, acc_sh, sem0, sem1):
        cid = lax.axis_index("c")
        sid = lax.axis_index("s")
        wid = cid * NS + sid
        stripe = sid * ROWS_PER_SUB

        pltpu.sync_copy(z_hbm.at[pl.ds(stripe, ROWS_PER_SUB)],
                        acc_sh.at[pl.ds(stripe, ROWS_PER_SUB)])
        pltpu.sync_copy(gi_hbm.at[wid], gi_v)
        pltpu.sync_copy(si_hbm.at[wid], si_v)
        plsc.subcore_barrier()

        H = CHUNK // 2
        sems = (sem0, sem1)

        @pl.loop(0, N_CHUNK)
        def _(i):
            gs = [pltpu.async_copy(wh_hbm.at[gi_v.at[i, pl.ds(q * H, H)]],
                                   rows_v.at[pl.ds(q * H, H)], sems[q])
                  for q in range(2)]
            for c in gs:
                c.wait()
            ss = [pltpu.async_copy(rows_v.at[pl.ds(q * H, H)],
                                   acc_sh.at[si_v.at[i, pl.ds(q * H, H)]],
                                   sems[q], add=True)
                  for q in range(2)]
            for c in ss:
                c.wait()

        plsc.subcore_barrier()
        pltpu.sync_copy(acc_sh.at[pl.ds(stripe, ROWS_PER_SUB)],
                        out_hbm.at[cid, pl.ds(stripe, ROWS_PER_SUB)])

    return k(wh, g_idx, s_idx, zeros)



@jax.jit
def kernel(x_literal, x_clause, edge_index, W_l2c, b_l2c, W_c2l, b_c2l):
    src = edge_index[0].astype(jnp.int32).reshape(NW, E_PER_W)
    dst = edge_index[1].astype(jnp.int32).reshape(NW, E_PER_W)
    pad_g = jnp.zeros((NW, E_PAD_W), jnp.int32)
    pad_s = jnp.full((NW, E_PAD_W), DUMP_ROW, jnp.int32)

    def _padded(idx, pad):
        if E_PAD_W == 0:
            return idx.reshape(NW, N_CHUNK, CHUNK)
        return jnp.concatenate([idx, pad], axis=1).reshape(NW, N_CHUNK, CHUNK)

    src_g, src_s = _padded(src, pad_g), _padded(src, pad_s)
    dst_g, dst_s = _padded(dst, pad_g), _padded(dst, pad_s)
    zeros = jnp.zeros((N_PAD, FA), jnp.float32)

    wh1 = _tc_lin1(x_literal, W_l2c, b_l2c)
    acc1 = _sc_aggregate(wh1, src_g, dst_s, zeros)
    wh2 = _tc_mid(acc1, x_clause, W_c2l, b_c2l)
    acc2 = _sc_aggregate(wh2, dst_g, src_s, zeros)
    return _tc_final(acc2)

# --- scband reference (transcript-rebuilt; emitter-appended) ---
"""Pipeline reference for scband-cnflayer-14139032338989 (READ-ONLY COPY).

The authoritative reference and input builder live on the scoring server;
editing this copy changes nothing except your own understanding.
"""

import jax, jax.numpy as jnp
import numpy as np

N_LIT = 10000
N_CL = 10000
N_EDGE = 320000
IN_SIZE = 128
CLAUSE_SIZE = 128
OUT_SIZE = 128


def setup_inputs(seed: int = 0) -> dict:
    key = jax.random.key(seed)
    k1, k2, k3, k4, k5, k6, k7, k8 = jax.random.split(key, 8)
    x_literal = jax.random.normal(k1, (N_LIT, IN_SIZE), dtype=jnp.float32)
    x_clause = jax.random.normal(k2, (N_CL, 1), dtype=jnp.float32)
    src = jax.random.randint(k3, (N_EDGE,), 0, N_LIT, dtype=jnp.int64)
    dst = jax.random.randint(k4, (N_EDGE,), 0, N_CL, dtype=jnp.int64)
    edge_index = jnp.stack([src, dst], axis=0)
    # Linear l2c: in_size -> clause_size
    lim1 = 1.0 / np.sqrt(IN_SIZE)
    W_l2c = jax.random.uniform(k5, (IN_SIZE, CLAUSE_SIZE), minval=-lim1, maxval=lim1, dtype=jnp.float32)
    b_l2c = jax.random.uniform(k6, (CLAUSE_SIZE,), minval=-lim1, maxval=lim1, dtype=jnp.float32)
    # Linear c2l: (clause_size + 1) -> out_size
    lim2 = 1.0 / np.sqrt(CLAUSE_SIZE + 1)
    W_c2l = jax.random.uniform(k7, (CLAUSE_SIZE + 1, OUT_SIZE), minval=-lim2, maxval=lim2, dtype=jnp.float32)
    b_c2l = jax.random.uniform(k8, (OUT_SIZE,), minval=-lim2, maxval=lim2, dtype=jnp.float32)
    return {
        'x_literal': x_literal,
        'x_clause': x_clause,
        'edge_index': edge_index,
        'W_l2c': W_l2c,
        'b_l2c': b_l2c,
        'W_c2l': W_c2l,
        'b_c2l': b_c2l,
    }


def _mean_aggregate(messages, dst, num_segments):
    s = jax.ops.segment_sum(messages, dst, num_segments=num_segments)
    deg = jax.ops.segment_sum(jnp.ones((messages.shape[0],), dtype=messages.dtype), dst, num_segments=num_segments)
    return s / jnp.clip(deg, 1.0, None)[:, None]


def reference(x_literal, x_clause, edge_index, W_l2c, b_l2c, W_c2l, b_c2l):
    src_l = edge_index[0]  # literal endpoint of each l2c edge
    dst_c = edge_index[1]  # clause endpoint
    # l2c pass: Linear on literal feats, copy along l2c edges, mean at clauses
    Wh_l2c = x_literal @ W_l2c + b_l2c
    msgs_l2c = jnp.take(Wh_l2c, src_l, axis=0)
    h_clause = _mean_aggregate(msgs_l2c, dst_c, N_CL)
    cembs = jax.nn.relu(h_clause)
    # c2l pass: Linear on [cembs, clause_feat], copy along reversed edges, mean at literals
    Wh_c2l = jnp.concatenate([cembs, x_clause], axis=1) @ W_c2l + b_c2l
    msgs_c2l = jnp.take(Wh_c2l, dst_c, axis=0)
    h_literal = _mean_aggregate(msgs_c2l, src_l, N_LIT)
    lembs = jax.nn.relu(h_literal)
    return lembs

if __name__ == "__main__":
    import jax
    _d = setup_inputs()
    print(jax.jit(kernel)(*tuple(_d.values())))

</pallas_src>

<mosaic_0001>
#map = affine_map<(d0, d1) -> (0, 0)>
#map1 = affine_map<(d0, d1) -> (0, 0, 0)>
module attributes {stable_mosaic.version = 14 : i64} {
  func.func @k(%arg0: i32, %arg1: i32, %arg2: memref<10000x144xf32, #tpu.memory_space<hbm>>, %arg3: memref<32x125x80xi32, #tpu.memory_space<hbm>>, %arg4: memref<32x125x80xi32, #tpu.memory_space<hbm>>, %arg5: memref<10240x144xf32, #tpu.memory_space<hbm>>, %arg6: memref<2x10240x144xf32, #tpu.memory_space<hbm>>, %arg7: memref<125x80xi32, #tpu.memory_space<vmem>>, %arg8: memref<125x80xi32, #tpu.memory_space<vmem>>, %arg9: memref<80x144xf32, #tpu.memory_space<vmem>>, %arg10: memref<10240x144xf32, #tpu.memory_space<vmem_shared>>, %arg11: memref<!tpu.dma_semaphore, #tpu.memory_space<semaphore_mem>>, %arg12: memref<!tpu.dma_semaphore, #tpu.memory_space<semaphore_mem>>) attributes {dimension_semantics = [#tpu.dimension_semantics<core_parallel>, #tpu.dimension_semantics<subcore_parallel>], iteration_bounds = array<i64: 2, 16>, scalar_prefetch = 0 : i64, scratch_operands = 6 : i64, tpu.core_type = #tpu.core_type<sc_vector_subcore>, window_params = [{transform_indices = #map}, {transform_indices = #map1}, {transform_indices = #map1}, {transform_indices = #map}, {transform_indices = #map1}]} {
    %mul3A = arith.constant 16 : i32
    %mul3A_0 = arith.muli %arg0, %mul3A : i32
    %add3A = arith.addi %mul3A_0, %arg1 : i32
    %mul3A_1 = arith.constant 640 : i32
    %mul3A_2 = arith.muli %arg1, %mul3A_1 : i32
    "tpu.region"() ({
      %run_scoped3A = tpu.sem_alloc : memref<!tpu.dma_semaphore, #tpu.memory_space<semaphore_mem>>
      %dma_start3A = arith.constant 0 : i32
      %dma_start3A_8 = tpu.memref_slice %arg10[%mul3A_2, %dma_start3A] : memref<10240x144xf32, #tpu.memory_space<vmem_shared>> -> memref<640x144xf32, #tpu.memory_space<vmem_shared>>
      %dma_start3A_9 = arith.constant 0 : i32
      %dma_start3A_10 = tpu.memref_slice %arg5[%mul3A_2, %dma_start3A_9] : memref<10240x144xf32, #tpu.memory_space<hbm>> -> memref<640x144xf32, #tpu.memory_space<hbm>>
      tpu.enqueue_dma source(%dma_start3A_10 : memref<640x144xf32, #tpu.memory_space<hbm>>) target(%dma_start3A_8 : memref<640x144xf32, #tpu.memory_space<vmem_shared>>) target_semaphore(%run_scoped3A : memref<!tpu.dma_semaphore, #tpu.memory_space<semaphore_mem>>)
      %dma_wait3A = arith.constant 0 : i32
      %dma_wait3A_11 = tpu.memref_slice %arg10[%mul3A_2, %dma_wait3A] : memref<10240x144xf32, #tpu.memory_space<vmem_shared>> -> memref<640x144xf32, #tpu.memory_space<vmem_shared>>
      %dma_wait3A_12 = arith.constant 0 : i32
      %dma_wait3A_13 = tpu.memref_slice %arg5[%mul3A_2, %dma_wait3A_12] : memref<10240x144xf32, #tpu.memory_space<hbm>> -> memref<640x144xf32, #tpu.memory_space<hbm>>
      tpu.wait_dma2 semaphore(%run_scoped3A : memref<!tpu.dma_semaphore, #tpu.memory_space<semaphore_mem>>) src(%dma_wait3A_13 : memref<640x144xf32, #tpu.memory_space<hbm>>) dst(%dma_wait3A_11 : memref<640x144xf32, #tpu.memory_space<vmem_shared>>)
      tpu.yield
    }) : () -> ()
    "tpu.region"() ({
      %run_scoped3A = tpu.sem_alloc : memref<!tpu.dma_semaphore, #tpu.memory_space<semaphore_mem>>
      %dma_start3A = arith.constant 0 : i32
      %dma_start3A_8 = arith.constant 0 : i32
      %dma_start3A_9 = tpu.memref_slice %arg3[%add3A, %dma_start3A, %dma_start3A_8] : memref<32x125x80xi32, #tpu.memory_space<hbm>> -> memref<1x125x80xi32, #tpu.memory_space<hbm>>
      %dma_start3A_10 = tpu.memref_squeeze %dma_start3A_9 : memref<1x125x80xi32, #tpu.memory_space<hbm>> -> memref<125x80xi32, #tpu.memory_space<hbm>>
      %dma_start3A_11 = arith.constant 0 : i32
      %dma_start3A_12 = arith.constant 0 : i32
      %dma_start3A_13 = tpu.memref_slice %arg3[%add3A, %dma_start3A_11, %dma_start3A_12] : memref<32x125x80xi32, #tpu.memory_space<hbm>> -> memref<1x125x80xi32, #tpu.memory_space<hbm>>
      %dma_start3A_14 = tpu.memref_squeeze %dma_start3A_13 : memref<1x125x80xi32, #tpu.memory_space<hbm>> -> memref<125x80xi32, #tpu.memory_space<hbm>>
      tpu.enqueue_dma source(%dma_start3A_14 : memref<125x80xi32, #tpu.memory_space<hbm>>) target(%arg7 : memref<125x80xi32, #tpu.memory_space<vmem>>) target_semaphore(%run_scoped3A : memref<!tpu.dma_semaphore, #tpu.memory_space<semaphore_mem>>)
      %dma_wait3A = arith.constant 0 : i32
      %dma_wait3A_15 = arith.constant 0 : i32
      %dma_wait3A_16 = tpu.memref_slice %arg3[%add3A, %dma_wait3A, %dma_wait3A_15] : memref<32x125x80xi32, #tpu.memory_space<hbm>> -> memref<1x125x80xi32, #tpu.memory_space<hbm>>
      %dma_wait3A_17 = tpu.memref_squeeze %dma_wait3A_16 : memref<1x125x80xi32, #tpu.memory_space<hbm>> -> memref<125x80xi32, #tpu.memory_space<hbm>>
      %dma_wait3A_18 = arith.constant 0 : i32
      %dma_wait3A_19 = arith.constant 0 : i32
      %dma_wait3A_20 = tpu.memref_slice %arg3[%add3A, %dma_wait3A_18, %dma_wait3A_19] : memref<32x125x80xi32, #tpu.memory_space<hbm>> -> memref<1x125x80xi32, #tpu.memory_space<hbm>>
      %dma_wait3A_21 = tpu.memref_squeeze %dma_wait3A_20 : memref<1x125x80xi32, #tpu.memory_space<hbm>> -> memref<125x80xi32, #tpu.memory_space<hbm>>
      tpu.wait_dma2 semaphore(%run_scoped3A : memref<!tpu.dma_semaphore, #tpu.memory_space<semaphore_mem>>) src(%dma_wait3A_21 : memref<125x80xi32, #tpu.memory_space<hbm>>) dst(%arg7 : memref<125x80xi32, #tpu.memory_space<vmem>>)
      tpu.yield
    }) : () -> ()
    "tpu.region"() ({
      %run_scoped3A = tpu.sem_alloc : memref<!tpu.dma_semaphore, #tpu.memory_space<semaphore_mem>>
      %dma_start3A = arith.constant 0 : i32
      %dma_start3A_8 = arith.constant 0 : i32
      %dma_start3A_9 = tpu.memref_slice %arg4[%add3A, %dma_start3A, %dma_start3A_8] : memref<32x125x80xi32, #tpu.memory_space<hbm>> -> memref<1x125x80xi32, #tpu.memory_space<hbm>>
      %dma_start3A_10 = tpu.memref_squeeze %dma_start3A_9 : memref<1x125x80xi32, #tpu.memory_space<hbm>> -> memref<125x80xi32, #tpu.memory_space<hbm>>
      %dma_start3A_11 = arith.constant 0 : i32
      %dma_start3A_12 = arith.constant 0 : i32
      %dma_start3A_13 = tpu.memref_slice %arg4[%add3A, %dma_start3A_11, %dma_start3A_12] : memref<32x125x80xi32, #tpu.memory_space<hbm>> -> memref<1x125x80xi32, #tpu.memory_space<hbm>>
      %dma_start3A_14 = tpu.memref_squeeze %dma_start3A_13 : memref<1x125x80xi32, #tpu.memory_space<hbm>> -> memref<125x80xi32, #tpu.memory_space<hbm>>
      tpu.enqueue_dma source(%dma_start3A_14 : memref<125x80xi32, #tpu.memory_space<hbm>>) target(%arg8 : memref<125x80xi32, #tpu.memory_space<vmem>>) target_semaphore(%run_scoped3A : memref<!tpu.dma_semaphore, #tpu.memory_space<semaphore_mem>>)
      %dma_wait3A = arith.constant 0 : i32
      %dma_wait3A_15 = arith.constant 0 : i32
      %dma_wait3A_16 = tpu.memref_slice %arg4[%add3A, %dma_wait3A, %dma_wait3A_15] : memref<32x125x80xi32, #tpu.memory_space<hbm>> -> memref<1x125x80xi32, #tpu.memory_space<hbm>>
      %dma_wait3A_17 = tpu.memref_squeeze %dma_wait3A_16 : memref<1x125x80xi32, #tpu.memory_space<hbm>> -> memref<125x80xi32, #tpu.memory_space<hbm>>
      %dma_wait3A_18 = arith.constant 0 : i32
      %dma_wait3A_19 = arith.constant 0 : i32
      %dma_wait3A_20 = tpu.memref_slice %arg4[%add3A, %dma_wait3A_18, %dma_wait3A_19] : memref<32x125x80xi32, #tpu.memory_space<hbm>> -> memref<1x125x80xi32, #tpu.memory_space<hbm>>
      %dma_wait3A_21 = tpu.memref_squeeze %dma_wait3A_20 : memref<1x125x80xi32, #tpu.memory_space<hbm>> -> memref<125x80xi32, #tpu.memory_space<hbm>>
      tpu.wait_dma2 semaphore(%run_scoped3A : memref<!tpu.dma_semaphore, #tpu.memory_space<semaphore_mem>>) src(%dma_wait3A_21 : memref<125x80xi32, #tpu.memory_space<hbm>>) dst(%arg8 : memref<125x80xi32, #tpu.memory_space<vmem>>)
      tpu.yield
    }) : () -> ()
    %barrier3A = arith.constant 0 : index
    tpu.barrier barrier_id(%barrier3A)
    %scan3A = arith.constant 0 : i32
    %scan3A_3 = arith.constant 125 : i32
    %scan3A_4 = arith.addi %scan3A, %scan3A_3 : i32
    %scan3A_5 = arith.constant 1 : i32
    scf.for %scan3A_8 = %scan3A to %scan3A_4 step %scan3A_5  : i32 {
      %mul3A_9 = arith.constant 1 : i32
      %mul3A_10 = arith.muli %scan3A_8, %mul3A_9 : i32
      %add3A_11 = arith.constant 0 : i32
      %add3A_12 = arith.addi %add3A_11, %mul3A_10 : i32
      %dma_start3A = arith.constant 0 : i32
      %dma_start3A_13 = arith.constant 0 : i32
      %dma_start3A_14 = tpu.memref_slice %arg9[%dma_start3A, %dma_start3A_13] : memref<80x144xf32, #tpu.memory_space<vmem>> -> memref<40x144xf32, #tpu.memory_space<vmem>>
      %dma_start3A_15 = arith.constant 0 : i32
      %dma_start3A_16 = tpu.memref_slice %arg7[%add3A_12, %dma_start3A_15] : memref<125x80xi32, #tpu.memory_space<vmem>> -> memref<1x40xi32, #tpu.memory_space<vmem>>
      %dma_start3A_17 = tpu.memref_squeeze %dma_start3A_16 : memref<1x40xi32, #tpu.memory_space<vmem>> -> memref<40xi32, #tpu.memory_space<vmem>>
      %dma_start3A_18 = arith.constant 0 : i32
      %dma_start3A_19 = arith.constant 0 : i32
      %dma_start3A_20 = tpu.memref_slice %arg2[%dma_start3A_18, %dma_start3A_19] : memref<10000x144xf32, #tpu.memory_space<hbm>> -> memref<10000x144xf32, #tpu.memory_space<hbm>>
      tpu.enqueue_indirect_dma source(%dma_start3A_20 : memref<10000x144xf32, #tpu.memory_space<hbm>>) target(%dma_start3A_14 : memref<40x144xf32, #tpu.memory_space<vmem>>) offsets(%dma_start3A_17 : memref<40xi32, #tpu.memory_space<vmem>>) semaphore(%arg11 : memref<!tpu.dma_semaphore, #tpu.memory_space<semaphore_mem>>)
      %dma_start3A_21 = arith.constant 40 : i32
      %dma_start3A_22 = arith.constant 0 : i32
      %dma_start3A_23 = tpu.memref_slice %arg9[%dma_start3A_21, %dma_start3A_22] : memref<80x144xf32, #tpu.memory_space<vmem>> -> memref<40x144xf32, #tpu.memory_space<vmem>>
      %dma_start3A_24 = arith.constant 40 : i32
      %dma_start3A_25 = tpu.memref_slice %arg7[%add3A_12, %dma_start3A_24] : memref<125x80xi32, #tpu.memory_space<vmem>> -> memref<1x40xi32, #tpu.memory_space<vmem>>
      %dma_start3A_26 = tpu.memref_squeeze %dma_start3A_25 : memref<1x40xi32, #tpu.memory_space<vmem>> -> memref<40xi32, #tpu.memory_space<vmem>>
      %dma_start3A_27 = arith.constant 0 : i32
      %dma_start3A_28 = arith.constant 0 : i32
      %dma_start3A_29 = tpu.memref_slice %arg2[%dma_start3A_27, %dma_start3A_28] : memref<10000x144xf32, #tpu.memory_space<hbm>> -> memref<10000x144xf32, #tpu.memory_space<hbm>>
      tpu.enqueue_indirect_dma source(%dma_start3A_29 : memref<10000x144xf32, #tpu.memory_space<hbm>>) target(%dma_start3A_23 : memref<40x144xf32, #tpu.memory_space<vmem>>) offsets(%dma_start3A_26 : memref<40xi32, #tpu.memory_space<vmem>>) semaphore(%arg12 : memref<!tpu.dma_semaphore, #tpu.memory_space<semaphore_mem>>)
      %dma_wait3A = arith.constant 0 : i32
      %dma_wait3A_30 = arith.constant 0 : i32
      %dma_wait3A_31 = tpu.memref_slice %arg9[%dma_wait3A, %dma_wait3A_30] : memref<80x144xf32, #tpu.memory_space<vmem>> -> memref<40x144xf32, #tpu.memory_space<vmem>>
      %dma_wait3A_32 = arith.constant 0 : i32
      %dma_wait3A_33 = tpu.memref_slice %arg7[%add3A_12, %dma_wait3A_32] : memref<125x80xi32, #tpu.memory_space<vmem>> -> memref<1x40xi32, #tpu.memory_space<vmem>>
      %dma_wait3A_34 = tpu.memref_squeeze %dma_wait3A_33 : memref<1x40xi32, #tpu.memory_space<vmem>> -> memref<40xi32, #tpu.memory_space<vmem>>
      %dma_wait3A_35 = arith.constant 0 : i32
      %dma_wait3A_36 = arith.constant 0 : i32
      %dma_wait3A_37 = tpu.memref_slice %arg2[%dma_wait3A_35, %dma_wait3A_36] : memref<10000x144xf32, #tpu.memory_space<hbm>> -> memref<10000x144xf32, #tpu.memory_space<hbm>>
      tpu.wait_indirect_dma semaphore(%arg11 : memref<!tpu.dma_semaphore, #tpu.memory_space<semaphore_mem>>) src(%dma_wait3A_37 : memref<10000x144xf32, #tpu.memory_space<hbm>>) dst(%dma_wait3A_31 : memref<40x144xf32, #tpu.memory_space<vmem>>)
      %dma_wait3A_38 = arith.constant 40 : i32
      %dma_wait3A_39 = arith.constant 0 : i32
      %dma_wait3A_40 = tpu.memref_slice %arg9[%dma_wait3A_38, %dma_wait3A_39] : memref<80x144xf32, #tpu.memory_space<vmem>> -> memref<40x144xf32, #tpu.memory_space<vmem>>
      %dma_wait3A_41 = arith.constant 40 : i32
      %dma_wait3A_42 = tpu.memref_slice %arg7[%add3A_12, %dma_wait3A_41] : memref<125x80xi32, #tpu.memory_space<vmem>> -> memref<1x40xi32, #tpu.memory_space<vmem>>
      %dma_wait3A_43 = tpu.memref_squeeze %dma_wait3A_42 : memref<1x40xi32, #tpu.memory_space<vmem>> -> memref<40xi32, #tpu.memory_space<vmem>>
      %dma_wait3A_44 = arith.constant 0 : i32
      %dma_wait3A_45 = arith.constant 0 : i32
      %dma_wait3A_46 = tpu.memref_slice %arg2[%dma_wait3A_44, %dma_wait3A_45] : memref<10000x144xf32, #tpu.memory_space<hbm>> -> memref<10000x144xf32, #tpu.memory_space<hbm>>
      tpu.wait_indirect_dma semaphore(%arg12 : memref<!tpu.dma_semaphore, #tpu.memory_space<semaphore_mem>>) src(%dma_wait3A_46 : memref<10000x144xf32, #tpu.memory_space<hbm>>) dst(%dma_wait3A_40 : memref<40x144xf32, #tpu.memory_space<vmem>>)
      %dma_start3A_47 = arith.constant 0 : i32
      %dma_start3A_48 = arith.constant 0 : i32
      %dma_start3A_49 = tpu.memref_slice %arg9[%dma_start3A_47, %dma_start3A_48] : memref<80x144xf32, #tpu.memory_space<vmem>> -> memref<40x144xf32, #tpu.memory_space<vmem>>
      %dma_start3A_50 = arith.constant 0 : i32
      %dma_start3A_51 = tpu.memref_slice %arg8[%add3A_12, %dma_start3A_50] : memref<125x80xi32, #tpu.memory_space<vmem>> -> memref<1x40xi32, #tpu.memory_space<vmem>>
      %dma_start3A_52 = tpu.memref_squeeze %dma_start3A_51 : memref<1x40xi32, #tpu.memory_space<vmem>> -> memref<40xi32, #tpu.memory_space<vmem>>
      %dma_start3A_53 = arith.constant 0 : i32
      %dma_start3A_54 = arith.constant 0 : i32
      %dma_start3A_55 = tpu.memref_slice %arg10[%dma_start3A_53, %dma_start3A_54] : memref<10240x144xf32, #tpu.memory_space<vmem_shared>> -> memref<10240x144xf32, #tpu.memory_space<vmem_shared>>
      tpu.enqueue_indirect_dma source(%dma_start3A_49 : memref<40x144xf32, #tpu.memory_space<vmem>>) target(%dma_start3A_55 : memref<10240x144xf32, #tpu.memory_space<vmem_shared>>) offsets(%dma_start3A_52 : memref<40xi32, #tpu.memory_space<vmem>>) semaphore(%arg11 : memref<!tpu.dma_semaphore, #tpu.memory_space<semaphore_mem>>) {add = true}
      %dma_start3A_56 = arith.constant 40 : i32
      %dma_start3A_57 = arith.constant 0 : i32
      %dma_start3A_58 = tpu.memref_slice %arg9[%dma_start3A_56, %dma_start3A_57] : memref<80x144xf32, #tpu.memory_space<vmem>> -> memref<40x144xf32, #tpu.memory_space<vmem>>
      %dma_start3A_59 = arith.constant 40 : i32
      %dma_start3A_60 = tpu.memref_slice %arg8[%add3A_12, %dma_start3A_59] : memref<125x80xi32, #tpu.memory_space<vmem>> -> memref<1x40xi32, #tpu.memory_space<vmem>>
      %dma_start3A_61 = tpu.memref_squeeze %dma_start3A_60 : memref<1x40xi32, #tpu.memory_space<vmem>> -> memref<40xi32, #tpu.memory_space<vmem>>
      %dma_start3A_62 = arith.constant 0 : i32
      %dma_start3A_63 = arith.constant 0 : i32
      %dma_start3A_64 = tpu.memref_slice %arg10[%dma_start3A_62, %dma_start3A_63] : memref<10240x144xf32, #tpu.memory_space<vmem_shared>> -> memref<10240x144xf32, #tpu.memory_space<vmem_shared>>
      tpu.enqueue_indirect_dma source(%dma_start3A_58 : memref<40x144xf32, #tpu.memory_space<vmem>>) target(%dma_start3A_64 : memref<10240x144xf32, #tpu.memory_space<vmem_shared>>) offsets(%dma_start3A_61 : memref<40xi32, #tpu.memory_space<vmem>>) semaphore(%arg12 : memref<!tpu.dma_semaphore, #tpu.memory_space<semaphore_mem>>) {add = true}
      %dma_wait3A_65 = arith.constant 0 : i32
      %dma_wait3A_66 = arith.constant 0 : i32
      %dma_wait3A_67 = tpu.memref_slice %arg9[%dma_wait3A_65, %dma_wait3A_66] : memref<80x144xf32, #tpu.memory_space<vmem>> -> memref<40x144xf32, #tpu.memory_space<vmem>>
      %dma_wait3A_68 = arith.constant 0 : i32
      %dma_wait3A_69 = tpu.memref_slice %arg8[%add3A_12, %dma_wait3A_68] : memref<125x80xi32, #tpu.memory_space<vmem>> -> memref<1x40xi32, #tpu.memory_space<vmem>>
      %dma_wait3A_70 = tpu.memref_squeeze %dma_wait3A_69 : memref<1x40xi32, #tpu.memory_space<vmem>> -> memref<40xi32, #tpu.memory_space<vmem>>
      %dma_wait3A_71 = arith.constant 0 : i32
      %dma_wait3A_72 = arith.constant 0 : i32
      %dma_wait3A_73 = tpu.memref_slice %arg10[%dma_wait3A_71, %dma_wait3A_72] : memref<10240x144xf32, #tpu.memory_space<vmem_shared>> -> memref<10240x144xf32, #tpu.memory_space<vmem_shared>>
      tpu.wait_indirect_dma semaphore(%arg11 : memref<!tpu.dma_semaphore, #tpu.memory_space<semaphore_mem>>) src(%dma_wait3A_67 : memref<40x144xf32, #tpu.memory_space<vmem>>) dst(%dma_wait3A_73 : memref<10240x144xf32, #tpu.memory_space<vmem_shared>>)
      %dma_wait3A_74 = arith.constant 40 : i32
      %dma_wait3A_75 = arith.constant 0 : i32
      %dma_wait3A_76 = tpu.memref_slice %arg9[%dma_wait3A_74, %dma_wait3A_75] : memref<80x144xf32, #tpu.memory_space<vmem>> -> memref<40x144xf32, #tpu.memory_space<vmem>>
      %dma_wait3A_77 = arith.constant 40 : i32
      %dma_wait3A_78 = tpu.memref_slice %arg8[%add3A_12, %dma_wait3A_77] : memref<125x80xi32, #tpu.memory_space<vmem>> -> memref<1x40xi32, #tpu.memory_space<vmem>>
      %dma_wait3A_79 = tpu.memref_squeeze %dma_wait3A_78 : memref<1x40xi32, #tpu.memory_space<vmem>> -> memref<40xi32, #tpu.memory_space<vmem>>
      %dma_wait3A_80 = arith.constant 0 : i32
      %dma_wait3A_81 = arith.constant 0 : i32
      %dma_wait3A_82 = tpu.memref_slice %arg10[%dma_wait3A_80, %dma_wait3A_81] : memref<10240x144xf32, #tpu.memory_space<vmem_shared>> -> memref<10240x144xf32, #tpu.memory_space<vmem_shared>>
      tpu.wait_indirect_dma semaphore(%arg12 : memref<!tpu.dma_semaphore, #tpu.memory_space<semaphore_mem>>) src(%dma_wait3A_76 : memref<40x144xf32, #tpu.memory_space<vmem>>) dst(%dma_wait3A_82 : memref<10240x144xf32, #tpu.memory_space<vmem_shared>>)
    }
    %scan3A_6 = arith.constant 125 : i32
    %barrier3A_7 = arith.constant 0 : index
    tpu.barrier barrier_id(%barrier3A_7)
    "tpu.region"() ({
      %run_scoped3A = tpu.sem_alloc : memref<!tpu.dma_semaphore, #tpu.memory_space<semaphore_mem>>
      %dma_start3A = arith.constant 0 : i32
      %dma_start3A_8 = tpu.memref_slice %arg6[%arg0, %mul3A_2, %dma_start3A] : memref<2x10240x144xf32, #tpu.memory_space<hbm>> -> memref<1x640x144xf32, #tpu.memory_space<hbm>>
      %dma_start3A_9 = tpu.memref_squeeze %dma_start3A_8 : memref<1x640x144xf32, #tpu.memory_space<hbm>> -> memref<640x144xf32, #tpu.memory_space<hbm>>
      %dma_start3A_10 = arith.constant 0 : i32
      %dma_start3A_11 = tpu.memref_slice %arg10[%mul3A_2, %dma_start3A_10] : memref<10240x144xf32, #tpu.memory_space<vmem_shared>> -> memref<640x144xf32, #tpu.memory_space<vmem_shared>>
      tpu.enqueue_dma source(%dma_start3A_11 : memref<640x144xf32, #tpu.memory_space<vmem_shared>>) target(%dma_start3A_9 : memref<640x144xf32, #tpu.memory_space<hbm>>) target_semaphore(%run_scoped3A : memref<!tpu.dma_semaphore, #tpu.memory_space<semaphore_mem>>)
      %dma_wait3A = arith.constant 0 : i32
      %dma_wait3A_12 = tpu.memref_slice %arg6[%arg0, %mul3A_2, %dma_wait3A] : memref<2x10240x144xf32, #tpu.memory_space<hbm>> -> memref<1x640x144xf32, #tpu.memory_space<hbm>>
      %dma_wait3A_13 = tpu.memref_squeeze %dma_wait3A_12 : memref<1x640x144xf32, #tpu.memory_space<hbm>> -> memref<640x144xf32, #tpu.memory_space<hbm>>
      %dma_wait3A_14 = arith.constant 0 : i32
      %dma_wait3A_15 = tpu.memref_slice %arg10[%mul3A_2, %dma_wait3A_14] : memref<10240x144xf32, #tpu.memory_space<vmem_shared>> -> memref<640x144xf32, #tpu.memory_space<vmem_shared>>
      tpu.wait_dma2 semaphore(%run_scoped3A : memref<!tpu.dma_semaphore, #tpu.memory_space<semaphore_mem>>) src(%dma_wait3A_15 : memref<640x144xf32, #tpu.memory_space<vmem_shared>>) dst(%dma_wait3A_13 : memref<640x144xf32, #tpu.memory_space<hbm>>)
      tpu.yield
    }) : () -> ()
    return
  }
}

#map = affine_map<(d0, d1) -> (0, 0)>
#map1 = affine_map<(d0, d1) -> (0, 0, 0)>
module attributes {stable_mosaic.version = 14 : i64} {
  func.func @k(%arg0: i32, %arg1: i32, %arg2: memref<10000x144xf32, #tpu.memory_space<hbm>>, %arg3: memref<32x125x80xi32, #tpu.memory_space<hbm>>, %arg4: memref<32x125x80xi32, #tpu.memory_space<hbm>>, %arg5: memref<10240x144xf32, #tpu.memory_space<hbm>>, %arg6: memref<2x10240x144xf32, #tpu.memory_space<hbm>>, %arg7: memref<125x80xi32, #tpu.memory_space<vmem>>, %arg8: memref<125x80xi32, #tpu.memory_space<vmem>>, %arg9: memref<80x144xf32, #tpu.memory_space<vmem>>, %arg10: memref<10240x144xf32, #tpu.memory_space<vmem_shared>>, %arg11: memref<!tpu.dma_semaphore, #tpu.memory_space<semaphore_mem>>, %arg12: memref<!tpu.dma_semaphore, #tpu.memory_space<semaphore_mem>>) attributes {dimension_semantics = [#tpu.dimension_semantics<core_parallel>, #tpu.dimension_semantics<subcore_parallel>], iteration_bounds = array<i64: 2, 16>, scalar_prefetch = 0 : i64, scratch_operands = 6 : i64, tpu.core_type = #tpu.core_type<sc_vector_subcore>, window_params = [{transform_indices = #map}, {transform_indices = #map1}, {transform_indices = #map1}, {transform_indices = #map}, {transform_indices = #map1}]} {
    %mul3A = arith.constant 16 : i32
    %mul3A_0 = arith.muli %arg0, %mul3A : i32
    %add3A = arith.addi %mul3A_0, %arg1 : i32
    %mul3A_1 = arith.constant 640 : i32
    %mul3A_2 = arith.muli %arg1, %mul3A_1 : i32
    "tpu.region"() ({
      %run_scoped3A = tpu.sem_alloc : memref<!tpu.dma_semaphore, #tpu.memory_space<semaphore_mem>>
      %dma_start3A = arith.constant 0 : i32
      %dma_start3A_8 = tpu.memref_slice %arg10[%mul3A_2, %dma_start3A] : memref<10240x144xf32, #tpu.memory_space<vmem_shared>> -> memref<640x144xf32, #tpu.memory_space<vmem_shared>>
      %dma_start3A_9 = arith.constant 0 : i32
      %dma_start3A_10 = tpu.memref_slice %arg5[%mul3A_2, %dma_start3A_9] : memref<10240x144xf32, #tpu.memory_space<hbm>> -> memref<640x144xf32, #tpu.memory_space<hbm>>
      tpu.enqueue_dma source(%dma_start3A_10 : memref<640x144xf32, #tpu.memory_space<hbm>>) target(%dma_start3A_8 : memref<640x144xf32, #tpu.memory_space<vmem_shared>>) target_semaphore(%run_scoped3A : memref<!tpu.dma_semaphore, #tpu.memory_space<semaphore_mem>>)
      %dma_wait3A = arith.constant 0 : i32
      %dma_wait3A_11 = tpu.memref_slice %arg10[%mul3A_2, %dma_wait3A] : memref<10240x144xf32, #tpu.memory_space<vmem_shared>> -> memref<640x144xf32, #tpu.memory_space<vmem_shared>>
      %dma_wait3A_12 = arith.constant 0 : i32
      %dma_wait3A_13 = tpu.memref_slice %arg5[%mul3A_2, %dma_wait3A_12] : memref<10240x144xf32, #tpu.memory_space<hbm>> -> memref<640x144xf32, #tpu.memory_space<hbm>>
      tpu.wait_dma2 semaphore(%run_scoped3A : memref<!tpu.dma_semaphore, #tpu.memory_space<semaphore_mem>>) src(%dma_wait3A_13 : memref<640x144xf32, #tpu.memory_space<hbm>>) dst(%dma_wait3A_11 : memref<640x144xf32, #tpu.memory_space<vmem_shared>>)
      tpu.yield
    }) : () -> ()
    "tpu.region"() ({
      %run_scoped3A = tpu.sem_alloc : memref<!tpu.dma_semaphore, #tpu.memory_space<semaphore_mem>>
      %dma_start3A = arith.constant 0 : i32
      %dma_start3A_8 = arith.constant 0 : i32
      %dma_start3A_9 = tpu.memref_slice %arg3[%add3A, %dma_start3A, %dma_start3A_8] : memref<32x125x80xi32, #tpu.memory_space<hbm>> -> memref<1x125x80xi32, #tpu.memory_space<hbm>>
      %dma_start3A_10 = tpu.memref_squeeze %dma_start3A_9 : memref<1x125x80xi32, #tpu.memory_space<hbm>> -> memref<125x80xi32, #tpu.memory_space<hbm>>
      %dma_start3A_11 = arith.constant 0 : i32
      %dma_start3A_12 = arith.constant 0 : i32
      %dma_start3A_13 = tpu.memref_slice %arg3[%add3A, %dma_start3A_11, %dma_start3A_12] : memref<32x125x80xi32, #tpu.memory_space<hbm>> -> memref<1x125x80xi32, #tpu.memory_space<hbm>>
      %dma_start3A_14 = tpu.memref_squeeze %dma_start3A_13 : memref<1x125x80xi32, #tpu.memory_space<hbm>> -> memref<125x80xi32, #tpu.memory_space<hbm>>
      tpu.enqueue_dma source(%dma_start3A_14 : memref<125x80xi32, #tpu.memory_space<hbm>>) target(%arg7 : memref<125x80xi32, #tpu.memory_space<vmem>>) target_semaphore(%run_scoped3A : memref<!tpu.dma_semaphore, #tpu.memory_space<semaphore_mem>>)
      %dma_wait3A = arith.constant 0 : i32
      %dma_wait3A_15 = arith.constant 0 : i32
      %dma_wait3A_16 = tpu.memref_slice %arg3[%add3A, %dma_wait3A, %dma_wait3A_15] : memref<32x125x80xi32, #tpu.memory_space<hbm>> -> memref<1x125x80xi32, #tpu.memory_space<hbm>>
      %dma_wait3A_17 = tpu.memref_squeeze %dma_wait3A_16 : memref<1x125x80xi32, #tpu.memory_space<hbm>> -> memref<125x80xi32, #tpu.memory_space<hbm>>
      %dma_wait3A_18 = arith.constant 0 : i32
      %dma_wait3A_19 = arith.constant 0 : i32
      %dma_wait3A_20 = tpu.memref_slice %arg3[%add3A, %dma_wait3A_18, %dma_wait3A_19] : memref<32x125x80xi32, #tpu.memory_space<hbm>> -> memref<1x125x80xi32, #tpu.memory_space<hbm>>
      %dma_wait3A_21 = tpu.memref_squeeze %dma_wait3A_20 : memref<1x125x80xi32, #tpu.memory_space<hbm>> -> memref<125x80xi32, #tpu.memory_space<hbm>>
      tpu.wait_dma2 semaphore(%run_scoped3A : memref<!tpu.dma_semaphore, #tpu.memory_space<semaphore_mem>>) src(%dma_wait3A_21 : memref<125x80xi32, #tpu.memory_space<hbm>>) dst(%arg7 : memref<125x80xi32, #tpu.memory_space<vmem>>)
      tpu.yield
    }) : () -> ()
    "tpu.region"() ({
      %run_scoped3A = tpu.sem_alloc : memref<!tpu.dma_semaphore, #tpu.memory_space<semaphore_mem>>
      %dma_start3A = arith.constant 0 : i32
      %dma_start3A_8 = arith.constant 0 : i32
      %dma_start3A_9 = tpu.memref_slice %arg4[%add3A, %dma_start3A, %dma_start3A_8] : memref<32x125x80xi32, #tpu.memory_space<hbm>> -> memref<1x125x80xi32, #tpu.memory_space<hbm>>
      %dma_start3A_10 = tpu.memref_squeeze %dma_start3A_9 : memref<1x125x80xi32, #tpu.memory_space<hbm>> -> memref<125x80xi32, #tpu.memory_space<hbm>>
      %dma_start3A_11 = arith.constant 0 : i32
      %dma_start3A_12 = arith.constant 0 : i32
      %dma_start3A_13 = tpu.memref_slice %arg4[%add3A, %dma_start3A_11, %dma_start3A_12] : memref<32x125x80xi32, #tpu.memory_space<hbm>> -> memref<1x125x80xi32, #tpu.memory_space<hbm>>
      %dma_start3A_14 = tpu.memref_squeeze %dma_start3A_13 : memref<1x125x80xi32, #tpu.memory_space<hbm>> -> memref<125x80xi32, #tpu.memory_space<hbm>>
      tpu.enqueue_dma source(%dma_start3A_14 : memref<125x80xi32, #tpu.memory_space<hbm>>) target(%arg8 : memref<125x80xi32, #tpu.memory_space<vmem>>) target_semaphore(%run_scoped3A : memref<!tpu.dma_semaphore, #tpu.memory_space<semaphore_mem>>)
      %dma_wait3A = arith.constant 0 : i32
      %dma_wait3A_15 = arith.constant 0 : i32
      %dma_wait3A_16 = tpu.memref_slice %arg4[%add3A, %dma_wait3A, %dma_wait3A_15] : memref<32x125x80xi32, #tpu.memory_space<hbm>> -> memref<1x125x80xi32, #tpu.memory_space<hbm>>
      %dma_wait3A_17 = tpu.memref_squeeze %dma_wait3A_16 : memref<1x125x80xi32, #tpu.memory_space<hbm>> -> memref<125x80xi32, #tpu.memory_space<hbm>>
      %dma_wait3A_18 = arith.constant 0 : i32
      %dma_wait3A_19 = arith.constant 0 : i32
      %dma_wait3A_20 = tpu.memref_slice %arg4[%add3A, %dma_wait3A_18, %dma_wait3A_19] : memref<32x125x80xi32, #tpu.memory_space<hbm>> -> memref<1x125x80xi32, #tpu.memory_space<hbm>>
      %dma_wait3A_21 = tpu.memref_squeeze %dma_wait3A_20 : memref<1x125x80xi32, #tpu.memory_space<hbm>> -> memref<125x80xi32, #tpu.memory_space<hbm>>
      tpu.wait_dma2 semaphore(%run_scoped3A : memref<!tpu.dma_semaphore, #tpu.memory_space<semaphore_mem>>) src(%dma_wait3A_21 : memref<125x80xi32, #tpu.memory_space<hbm>>) dst(%arg8 : memref<125x80xi32, #tpu.memory_space<vmem>>)
      tpu.yield
    }) : () -> ()
    %barrier3A = arith.constant 0 : index
    tpu.barrier barrier_id(%barrier3A)
    %scan3A = arith.constant 0 : i32
    %scan3A_3 = arith.constant 125 : i32
    %scan3A_4 = arith.addi %scan3A, %scan3A_3 : i32
    %scan3A_5 = arith.constant 1 : i32
    scf.for %scan3A_8 = %scan3A to %scan3A_4 step %scan3A_5  : i32 {
      %mul3A_9 = arith.constant 1 : i32
      %mul3A_10 = arith.muli %scan3A_8, %mul3A_9 : i32
      %add3A_11 = arith.constant 0 : i32
      %add3A_12 = arith.addi %add3A_11, %mul3A_10 : i32
      %dma_start3A = arith.constant 0 : i32
      %dma_start3A_13 = arith.constant 0 : i32
      %dma_start3A_14 = tpu.memref_slice %arg9[%dma_start3A, %dma_start3A_13] : memref<80x144xf32, #tpu.memory_space<vmem>> -> memref<40x144xf32, #tpu.memory_space<vmem>>
      %dma_start3A_15 = arith.constant 0 : i32
      %dma_start3A_16 = tpu.memref_slice %arg7[%add3A_12, %dma_start3A_15] : memref<125x80xi32, #tpu.memory_space<vmem>> -> memref<1x40xi32, #tpu.memory_space<vmem>>
      %dma_start3A_17 = tpu.memref_squeeze %dma_start3A_16 : memref<1x40xi32, #tpu.memory_space<vmem>> -> memref<40xi32, #tpu.memory_space<vmem>>
      %dma_start3A_18 = arith.constant 0 : i32
      %dma_start3A_19 = arith.constant 0 : i32
      %dma_start3A_20 = tpu.memref_slice %arg2[%dma_start3A_18, %dma_start3A_19] : memref<10000x144xf32, #tpu.memory_space<hbm>> -> memref<10000x144xf32, #tpu.memory_space<hbm>>
      tpu.enqueue_indirect_dma source(%dma_start3A_20 : memref<10000x144xf32, #tpu.memory_space<hbm>>) target(%dma_start3A_14 : memref<40x144xf32, #tpu.memory_space<vmem>>) offsets(%dma_start3A_17 : memref<40xi32, #tpu.memory_space<vmem>>) semaphore(%arg11 : memref<!tpu.dma_semaphore, #tpu.memory_space<semaphore_mem>>)
      %dma_start3A_21 = arith.constant 40 : i32
      %dma_start3A_22 = arith.constant 0 : i32
      %dma_start3A_23 = tpu.memref_slice %arg9[%dma_start3A_21, %dma_start3A_22] : memref<80x144xf32, #tpu.memory_space<vmem>> -> memref<40x144xf32, #tpu.memory_space<vmem>>
      %dma_start3A_24 = arith.constant 40 : i32
      %dma_start3A_25 = tpu.memref_slice %arg7[%add3A_12, %dma_start3A_24] : memref<125x80xi32, #tpu.memory_space<vmem>> -> memref<1x40xi32, #tpu.memory_space<vmem>>
      %dma_start3A_26 = tpu.memref_squeeze %dma_start3A_25 : memref<1x40xi32, #tpu.memory_space<vmem>> -> memref<40xi32, #tpu.memory_space<vmem>>
      %dma_start3A_27 = arith.constant 0 : i32
      %dma_start3A_28 = arith.constant 0 : i32
      %dma_start3A_29 = tpu.memref_slice %arg2[%dma_start3A_27, %dma_start3A_28] : memref<10000x144xf32, #tpu.memory_space<hbm>> -> memref<10000x144xf32, #tpu.memory_space<hbm>>
      tpu.enqueue_indirect_dma source(%dma_start3A_29 : memref<10000x144xf32, #tpu.memory_space<hbm>>) target(%dma_start3A_23 : memref<40x144xf32, #tpu.memory_space<vmem>>) offsets(%dma_start3A_26 : memref<40xi32, #tpu.memory_space<vmem>>) semaphore(%arg12 : memref<!tpu.dma_semaphore, #tpu.memory_space<semaphore_mem>>)
      %dma_wait3A = arith.constant 0 : i32
      %dma_wait3A_30 = arith.constant 0 : i32
      %dma_wait3A_31 = tpu.memref_slice %arg9[%dma_wait3A, %dma_wait3A_30] : memref<80x144xf32, #tpu.memory_space<vmem>> -> memref<40x144xf32, #tpu.memory_space<vmem>>
      %dma_wait3A_32 = arith.constant 0 : i32
      %dma_wait3A_33 = tpu.memref_slice %arg7[%add3A_12, %dma_wait3A_32] : memref<125x80xi32, #tpu.memory_space<vmem>> -> memref<1x40xi32, #tpu.memory_space<vmem>>
      %dma_wait3A_34 = tpu.memref_squeeze %dma_wait3A_33 : memref<1x40xi32, #tpu.memory_space<vmem>> -> memref<40xi32, #tpu.memory_space<vmem>>
      %dma_wait3A_35 = arith.constant 0 : i32
      %dma_wait3A_36 = arith.constant 0 : i32
      %dma_wait3A_37 = tpu.memref_slice %arg2[%dma_wait3A_35, %dma_wait3A_36] : memref<10000x144xf32, #tpu.memory_space<hbm>> -> memref<10000x144xf32, #tpu.memory_space<hbm>>
      tpu.wait_indirect_dma semaphore(%arg11 : memref<!tpu.dma_semaphore, #tpu.memory_space<semaphore_mem>>) src(%dma_wait3A_37 : memref<10000x144xf32, #tpu.memory_space<hbm>>) dst(%dma_wait3A_31 : memref<40x144xf32, #tpu.memory_space<vmem>>)
      %dma_wait3A_38 = arith.constant 40 : i32
      %dma_wait3A_39 = arith.constant 0 : i32
      %dma_wait3A_40 = tpu.memref_slice %arg9[%dma_wait3A_38, %dma_wait3A_39] : memref<80x144xf32, #tpu.memory_space<vmem>> -> memref<40x144xf32, #tpu.memory_space<vmem>>
      %dma_wait3A_41 = arith.constant 40 : i32
      %dma_wait3A_42 = tpu.memref_slice %arg7[%add3A_12, %dma_wait3A_41] : memref<125x80xi32, #tpu.memory_space<vmem>> -> memref<1x40xi32, #tpu.memory_space<vmem>>
      %dma_wait3A_43 = tpu.memref_squeeze %dma_wait3A_42 : memref<1x40xi32, #tpu.memory_space<vmem>> -> memref<40xi32, #tpu.memory_space<vmem>>
      %dma_wait3A_44 = arith.constant 0 : i32
      %dma_wait3A_45 = arith.constant 0 : i32
      %dma_wait3A_46 = tpu.memref_slice %arg2[%dma_wait3A_44, %dma_wait3A_45] : memref<10000x144xf32, #tpu.memory_space<hbm>> -> memref<10000x144xf32, #tpu.memory_space<hbm>>
      tpu.wait_indirect_dma semaphore(%arg12 : memref<!tpu.dma_semaphore, #tpu.memory_space<semaphore_mem>>) src(%dma_wait3A_46 : memref<10000x144xf32, #tpu.memory_space<hbm>>) dst(%dma_wait3A_40 : memref<40x144xf32, #tpu.memory_space<vmem>>)
      %dma_start3A_47 = arith.constant 0 : i32
      %dma_start3A_48 = arith.constant 0 : i32
      %dma_start3A_49 = tpu.memref_slice %arg9[%dma_start3A_47, %dma_start3A_48] : memref<80x144xf32, #tpu.memory_space<vmem>> -> memref<40x144xf32, #tpu.memory_space<vmem>>
      %dma_start3A_50 = arith.constant 0 : i32
      %dma_start3A_51 = tpu.memref_slice %arg8[%add3A_12, %dma_start3A_50] : memref<125x80xi32, #tpu.memory_space<vmem>> -> memref<1x40xi32, #tpu.memory_space<vmem>>
      %dma_start3A_52 = tpu.memref_squeeze %dma_start3A_51 : memref<1x40xi32, #tpu.memory_space<vmem>> -> memref<40xi32, #tpu.memory_space<vmem>>
      %dma_start3A_53 = arith.constant 0 : i32
      %dma_start3A_54 = arith.constant 0 : i32
      %dma_start3A_55 = tpu.memref_slice %arg10[%dma_start3A_53, %dma_start3A_54] : memref<10240x144xf32, #tpu.memory_space<vmem_shared>> -> memref<10240x144xf32, #tpu.memory_space<vmem_shared>>
      tpu.enqueue_indirect_dma source(%dma_start3A_49 : memref<40x144xf32, #tpu.memory_space<vmem>>) target(%dma_start3A_55 : memref<10240x144xf32, #tpu.memory_space<vmem_shared>>) offsets(%dma_start3A_52 : memref<40xi32, #tpu.memory_space<vmem>>) semaphore(%arg11 : memref<!tpu.dma_semaphore, #tpu.memory_space<semaphore_mem>>) {add = true}
      %dma_start3A_56 = arith.constant 40 : i32
      %dma_start3A_57 = arith.constant 0 : i32
      %dma_start3A_58 = tpu.memref_slice %arg9[%dma_start3A_56, %dma_start3A_57] : memref<80x144xf32, #tpu.memory_space<vmem>> -> memref<40x144xf32, #tpu.memory_space<vmem>>
      %dma_start3A_59 = arith.constant 40 : i32
      %dma_start3A_60 = tpu.memref_slice %arg8[%add3A_12, %dma_start3A_59] : memref<125x80xi32, #tpu.memory_space<vmem>> -> memref<1x40xi32, #tpu.memory_space<vmem>>
      %dma_start3A_61 = tpu.memref_squeeze %dma_start3A_60 : memref<1x40xi32, #tpu.memory_space<vmem>> -> memref<40xi32, #tpu.memory_space<vmem>>
      %dma_start3A_62 = arith.constant 0 : i32
      %dma_start3A_63 = arith.constant 0 : i32
      %dma_start3A_64 = tpu.memref_slice %arg10[%dma_start3A_62, %dma_start3A_63] : memref<10240x144xf32, #tpu.memory_space<vmem_shared>> -> memref<10240x144xf32, #tpu.memory_space<vmem_shared>>
      tpu.enqueue_indirect_dma source(%dma_start3A_58 : memref<40x144xf32, #tpu.memory_space<vmem>>) target(%dma_start3A_64 : memref<10240x144xf32, #tpu.memory_space<vmem_shared>>) offsets(%dma_start3A_61 : memref<40xi32, #tpu.memory_space<vmem>>) semaphore(%arg12 : memref<!tpu.dma_semaphore, #tpu.memory_space<semaphore_mem>>) {add = true}
      %dma_wait3A_65 = arith.constant 0 : i32
      %dma_wait3A_66 = arith.constant 0 : i32
      %dma_wait3A_67 = tpu.memref_slice %arg9[%dma_wait3A_65, %dma_wait3A_66] : memref<80x144xf32, #tpu.memory_space<vmem>> -> memref<40x144xf32, #tpu.memory_space<vmem>>
      %dma_wait3A_68 = arith.constant 0 : i32
      %dma_wait3A_69 = tpu.memref_slice %arg8[%add3A_12, %dma_wait3A_68] : memref<125x80xi32, #tpu.memory_space<vmem>> -> memref<1x40xi32, #tpu.memory_space<vmem>>
      %dma_wait3A_70 = tpu.memref_squeeze %dma_wait3A_69 : memref<1x40xi32, #tpu.memory_space<vmem>> -> memref<40xi32, #tpu.memory_space<vmem>>
      %dma_wait3A_71 = arith.constant 0 : i32
      %dma_wait3A_72 = arith.constant 0 : i32
      %dma_wait3A_73 = tpu.memref_slice %arg10[%dma_wait3A_71, %dma_wait3A_72] : memref<10240x144xf32, #tpu.memory_space<vmem_shared>> -> memref<10240x144xf32, #tpu.memory_space<vmem_shared>>
      tpu.wait_indirect_dma semaphore(%arg11 : memref<!tpu.dma_semaphore, #tpu.memory_space<semaphore_mem>>) src(%dma_wait3A_67 : memref<40x144xf32, #tpu.memory_space<vmem>>) dst(%dma_wait3A_73 : memref<10240x144xf32, #tpu.memory_space<vmem_shared>>)
      %dma_wait3A_74 = arith.constant 40 : i32
      %dma_wait3A_75 = arith.constant 0 : i32
      %dma_wait3A_76 = tpu.memref_slice %arg9[%dma_wait3A_74, %dma_wait3A_75] : memref<80x144xf32, #tpu.memory_space<vmem>> -> memref<40x144xf32, #tpu.memory_space<vmem>>
      %dma_wait3A_77 = arith.constant 40 : i32
      %dma_wait3A_78 = tpu.memref_slice %arg8[%add3A_12, %dma_wait3A_77] : memref<125x80xi32, #tpu.memory_space<vmem>> -> memref<1x40xi32, #tpu.memory_space<vmem>>
      %dma_wait3A_79 = tpu.memref_squeeze %dma_wait3A_78 : memref<1x40xi32, #tpu.memory_space<vmem>> -> memref<40xi32, #tpu.memory_space<vmem>>
      %dma_wait3A_80 = arith.constant 0 : i32
      %dma_wait3A_81 = arith.constant 0 : i32
      %dma_wait3A_82 = tpu.memref_slice %arg10[%dma_wait3A_80, %dma_wait3A_81] : memref<10240x144xf32, #tpu.memory_space<vmem_shared>> -> memref<10240x144xf32, #tpu.memory_space<vmem_shared>>
      tpu.wait_indirect_dma semaphore(%arg12 : memref<!tpu.dma_semaphore, #tpu.memory_space<semaphore_mem>>) src(%dma_wait3A_76 : memref<40x144xf32, #tpu.memory_space<vmem>>) dst(%dma_wait3A_82 : memref<10240x144xf32, #tpu.memory_space<vmem_shared>>)
    }
    %scan3A_6 = arith.constant 125 : i32
    %barrier3A_7 = arith.constant 0 : index
    tpu.barrier barrier_id(%barrier3A_7)
    "tpu.region"() ({
      %run_scoped3A = tpu.sem_alloc : memref<!tpu.dma_semaphore, #tpu.memory_space<semaphore_mem>>
      %dma_start3A = arith.constant 0 : i32
      %dma_start3A_8 = tpu.memref_slice %arg6[%arg0, %mul3A_2, %dma_start3A] : memref<2x10240x144xf32, #tpu.memory_space<hbm>> -> memref<1x640x144xf32, #tpu.memory_space<hbm>>
      %dma_start3A_9 = tpu.memref_squeeze %dma_start3A_8 : memref<1x640x144xf32, #tpu.memory_space<hbm>> -> memref<640x144xf32, #tpu.memory_space<hbm>>
      %dma_start3A_10 = arith.constant 0 : i32
      %dma_start3A_11 = tpu.memref_slice %arg10[%mul3A_2, %dma_start3A_10] : memref<10240x144xf32, #tpu.memory_space<vmem_shared>> -> memref<640x144xf32, #tpu.memory_space<vmem_shared>>
      tpu.enqueue_dma source(%dma_start3A_11 : memref<640x144xf32, #tpu.memory_space<vmem_shared>>) target(%dma_start3A_9 : memref<640x144xf32, #tpu.memory_space<hbm>>) target_semaphore(%run_scoped3A : memref<!tpu.dma_semaphore, #tpu.memory_space<semaphore_mem>>)
      %dma_wait3A = arith.constant 0 : i32
      %dma_wait3A_12 = tpu.memref_slice %arg6[%arg0, %mul3A_2, %dma_wait3A] : memref<2x10240x144xf32, #tpu.memory_space<hbm>> -> memref<1x640x144xf32, #tpu.memory_space<hbm>>
      %dma_wait3A_13 = tpu.memref_squeeze %dma_wait3A_12 : memref<1x640x144xf32, #tpu.memory_space<hbm>> -> memref<640x144xf32, #tpu.memory_space<hbm>>
      %dma_wait3A_14 = arith.constant 0 : i32
      %dma_wait3A_15 = tpu.memref_slice %arg10[%mul3A_2, %dma_wait3A_14] : memref<10240x144xf32, #tpu.memory_space<vmem_shared>> -> memref<640x144xf32, #tpu.memory_space<vmem_shared>>
      tpu.wait_dma2 semaphore(%run_scoped3A : memref<!tpu.dma_semaphore, #tpu.memory_space<semaphore_mem>>) src(%dma_wait3A_15 : memref<640x144xf32, #tpu.memory_space<vmem_shared>>) dst(%dma_wait3A_13 : memref<640x144xf32, #tpu.memory_space<hbm>>)
      tpu.yield
    }) : () -> ()
    return
  }
}

module attributes {stable_mosaic.version = 14 : i64} {
  func.func @_lin1_body(%arg0: i32, %arg1: memref<1000x128xf32, #tpu.memory_space<vmem>>, %arg2: memref<128x128xf32, #tpu.memory_space<vmem>>, %arg3: memref<1x128xf32, #tpu.memory_space<vmem>>, %arg4: memref<1000x144xf32, #tpu.memory_space<vmem>>) attributes {dimension_semantics = [#tpu.dimension_semantics<arbitrary>], iteration_bounds = array<i64: 10>, scalar_prefetch = 0 : i64, scratch_operands = 0 : i64, tpu.core_type = #tpu.core_type<tc>, window_params = [{transform_indices = @transform_0, window_bounds = array<i64: 1000, 128>}, {pipeline_mode = #tpu.pipeline_mode<synchronous>, transform_indices = @transform_1, window_bounds = array<i64: 128, 128>}, {pipeline_mode = #tpu.pipeline_mode<synchronous>, transform_indices = @transform_2, window_bounds = array<i64: 1, 128>}, {transform_indices = @transform_3, window_bounds = array<i64: 1000, 144>}]} {
    %get3A = arith.constant 0 : index
    %get3A_0 = arith.constant 0 : index
    %get3A_1 = vector.load %arg1[%get3A, %get3A_0] : memref<1000x128xf32, #tpu.memory_space<vmem>>, vector<1000x128xf32>
    %get3A_2 = arith.constant 0 : index
    %get3A_3 = arith.constant 0 : index
    %get3A_4 = vector.load %arg2[%get3A_2, %get3A_3] : memref<128x128xf32, #tpu.memory_space<vmem>>, vector<128x128xf32>
    %dot_general3A = arith.constant dense<0.000000e+00> : vector<1000x128xf32>
    %dot_general3A_5 = tpu.matmul %get3A_1, %get3A_4, %dot_general3A {dimension_numbers = #tpu.dot_dimension_numbers<[1], [0], [0], [1], [0, 0, 1, 1], [], []>, transpose_lhs_hint = false} : vector<1000x128xf32>, vector<128x128xf32>, vector<1000x128xf32> -> vector<1000x128xf32>
    %get3A_6 = arith.constant 0 : index
    %get3A_7 = arith.constant 0 : index
    %get3A_8 = vector.load %arg3[%get3A_6, %get3A_7] : memref<1x128xf32, #tpu.memory_space<vmem>>, vector<1x128xf32>
    %add3A = vector.broadcast %get3A_8 : vector<1x128xf32> to vector<1000x128xf32>
    %add3A_9 = arith.addf %dot_general3A_5, %add3A : vector<1000x128xf32>
    %broadcast_in_dim3A = arith.constant 1.000000e+00 : f32
    %broadcast_in_dim3A_10 = vector.broadcast %broadcast_in_dim3A : f32 to vector<1000x16xf32>
    %concatenate3A = tpu.concatenate %add3A_9, %broadcast_in_dim3A_10 in 1 : vector<1000x128xf32>, vector<1000x16xf32> -> vector<1000x144xf32>
    %swap3A = arith.constant 0 : index
    %swap3A_11 = arith.constant 0 : index
    %swap3A_12 = vector.load %arg4[%swap3A, %swap3A_11] : memref<1000x144xf32, #tpu.memory_space<vmem>>, vector<1000x144xf32>
    tpu.vector_store %arg4[%swap3A, %swap3A_11], %concatenate3A {strides = array<i32>} : memref<1000x144xf32, #tpu.memory_space<vmem>>, vector<1000x144xf32>,
    return
  }
  func.func @transform_0(%arg0: i32) -> (i32, i32) {
    %c0_i32 = arith.constant 0 : i32
    %c0_i32_0 = arith.constant 0 : i32
    return %arg0, %c0_i32 : i32, i32
  }
  func.func @transform_1(%arg0: i32) -> (i32, i32) {
    %c0_i32 = arith.constant 0 : i32
    %c0_i32_0 = arith.constant 0 : i32
    %c0_i32_1 = arith.constant 0 : i32
    return %c0_i32, %c0_i32_0 : i32, i32
  }
  func.func @transform_2(%arg0: i32) -> (i32, i32) {
    %c0_i32 = arith.constant 0 : i32
    %c0_i32_0 = arith.constant 0 : i32
    %c0_i32_1 = arith.constant 0 : i32
    return %c0_i32, %c0_i32_0 : i32, i32
  }
  func.func @transform_3(%arg0: i32) -> (i32, i32) {
    %c0_i32 = arith.constant 0 : i32
    %c0_i32_0 = arith.constant 0 : i32
    return %arg0, %c0_i32 : i32, i32
  }
}

module attributes {stable_mosaic.version = 14 : i64} {
  func.func @_mid_body(%arg0: i32, %arg1: memref<2x1000x144xf32, #tpu.memory_space<vmem>>, %arg2: memref<1000x1xf32, #tpu.memory_space<vmem>>, %arg3: memref<129x128xf32, #tpu.memory_space<vmem>>, %arg4: memref<1x128xf32, #tpu.memory_space<vmem>>, %arg5: memref<1000x144xf32, #tpu.memory_space<vmem>>) attributes {dimension_semantics = [#tpu.dimension_semantics<arbitrary>], iteration_bounds = array<i64: 10>, scalar_prefetch = 0 : i64, scratch_operands = 0 : i64, tpu.core_type = #tpu.core_type<tc>, window_params = [{transform_indices = @transform_0, window_bounds = array<i64: 2, 1000, 144>}, {transform_indices = @transform_1, window_bounds = array<i64: 1000, 1>}, {pipeline_mode = #tpu.pipeline_mode<synchronous>, transform_indices = @transform_2, window_bounds = array<i64: 129, 128>}, {pipeline_mode = #tpu.pipeline_mode<synchronous>, transform_indices = @transform_3, window_bounds = array<i64: 1, 128>}, {transform_indices = @transform_4, window_bounds = array<i64: 1000, 144>}]} {
    %get3A = arith.constant 0 : index
    %get3A_0 = arith.constant 0 : index
    %get3A_1 = arith.constant 0 : index
    %get3A_2 = vector.load %arg1[%get3A, %get3A_0, %get3A_1] : memref<2x1000x144xf32, #tpu.memory_space<vmem>>, vector<1x1000x144xf32>
    %get3A_3 = vector.shape_cast %get3A_2 : vector<1x1000x144xf32> to vector<1000x144xf32>
    %get3A_4 = arith.constant 1 : index
    %get3A_5 = arith.constant 0 : index
    %get3A_6 = arith.constant 0 : index
    %get3A_7 = vector.load %arg1[%get3A_4, %get3A_5, %get3A_6] : memref<2x1000x144xf32, #tpu.memory_space<vmem>>, vector<1x1000x144xf32>
    %get3A_8 = vector.shape_cast %get3A_7 : vector<1x1000x144xf32> to vector<1000x144xf32>
    %add3A = arith.addf %get3A_3, %get3A_8 : vector<1000x144xf32>
    %slice3A = vector.extract_strided_slice %add3A {offsets = [0, 0], sizes = [1000, 128], strides = [1, 1]} : vector<1000x144xf32> to vector<1000x128xf32>
    %slice3A_9 = vector.extract_strided_slice %add3A {offsets = [0, 128], sizes = [1000, 1], strides = [1, 1]} : vector<1000x144xf32> to vector<1000x1xf32>
    %max3A = arith.constant 1.000000e+00 : f32
    %max3A_10 = vector.broadcast %max3A : f32 to vector<1000x1xf32>
    %max3A_11 = arith.maximumf %slice3A_9, %max3A_10 : vector<1000x1xf32>
    %div3A = vector.broadcast %max3A_11 : vector<1000x1xf32> to vector<1000x128xf32>
    %div3A_12 = arith.divf %slice3A, %div3A : vector<1000x128xf32>
    %max3A_13 = arith.constant 0.000000e+00 : f32
    %max3A_14 = vector.broadcast %max3A_13 : f32 to vector<1000x128xf32>
    %max3A_15 = arith.maximumf %div3A_12, %max3A_14 : vector<1000x128xf32>
    %get3A_16 = arith.constant 0 : index
    %get3A_17 = arith.constant 0 : index
    %get3A_18 = vector.load %arg3[%get3A_16, %get3A_17] : memref<129x128xf32, #tpu.memory_space<vmem>>, vector<128x128xf32>
    %get3A_19 = arith.constant 128 : index
    %get3A_20 = arith.constant 0 : index
    %get3A_21 = vector.load %arg3[%get3A_19, %get3A_20] : memref<129x128xf32, #tpu.memory_space<vmem>>, vector<1x128xf32>
    %dot_general3A = arith.constant dense<0.000000e+00> : vector<1000x128xf32>
    %dot_general3A_22 = tpu.matmul %max3A_15, %get3A_18, %dot_general3A {dimension_numbers = #tpu.dot_dimension_numbers<[1], [0], [0], [1], [0, 0, 1, 1], [], []>, transpose_lhs_hint = false} : vector<1000x128xf32>, vector<128x128xf32>, vector<1000x128xf32> -> vector<1000x128xf32>
    %get3A_23 = arith.constant 0 : index
    %get3A_24 = arith.constant 0 : index
    %get3A_25 = vector.load %arg2[%get3A_23, %get3A_24] : memref<1000x1xf32, #tpu.memory_space<vmem>>, vector<1000x1xf32>
    %mul3A = vector.broadcast %get3A_25 : vector<1000x1xf32> to vector<1000x128xf32>
    %mul3A_26 = vector.broadcast %get3A_21 : vector<1x128xf32> to vector<1000x128xf32>
    %mul3A_27 = arith.mulf %mul3A, %mul3A_26 : vector<1000x128xf32>
    %add3A_28 = arith.addf %dot_general3A_22, %mul3A_27 : vector<1000x128xf32>
    %get3A_29 = arith.constant 0 : index
    %get3A_30 = arith.constant 0 : index
    %get3A_31 = vector.load %arg4[%get3A_29, %get3A_30] : memref<1x128xf32, #tpu.memory_space<vmem>>, vector<1x128xf32>
    %add3A_32 = vector.broadcast %get3A_31 : vector<1x128xf32> to vector<1000x128xf32>
    %add3A_33 = arith.addf %add3A_28, %add3A_32 : vector<1000x128xf32>
    %broadcast_in_dim3A = arith.constant 1.000000e+00 : f32
    %broadcast_in_dim3A_34 = vector.broadcast %broadcast_in_dim3A : f32 to vector<1000x16xf32>
    %concatenate3A = tpu.concatenate %add3A_33, %broadcast_in_dim3A_34 in 1 : vector<1000x128xf32>, vector<1000x16xf32> -> vector<1000x144xf32>
    %swap3A = arith.constant 0 : index
    %swap3A_35 = arith.constant 0 : index
    %swap3A_36 = vector.load %arg5[%swap3A, %swap3A_35] : memref<1000x144xf32, #tpu.memory_space<vmem>>, vector<1000x144xf32>
    tpu.vector_store %arg5[%swap3A, %swap3A_35], %concatenate3A {strides = array<i32>} : memref<1000x144xf32, #tpu.memory_space<vmem>>, vector<1000x144xf32>,
    return
  }
  func.func @transform_0(%arg0: i32) -> (i32, i32, i32) {
    %c0_i32 = arith.constant 0 : i32
    %c0_i32_0 = arith.constant 0 : i32
    %c0_i32_1 = arith.constant 0 : i32
    return %c0_i32, %arg0, %c0_i32_0 : i32, i32, i32
  }
  func.func @transform_1(%arg0: i32) -> (i32, i32) {
    %c0_i32 = arith.constant 0 : i32
    %c0_i32_0 = arith.constant 0 : i32
    return %arg0, %c0_i32 : i32, i32
  }
  func.func @transform_2(%arg0: i32) -> (i32, i32) {
    %c0_i32 = arith.constant 0 : i32
    %c0_i32_0 = arith.constant 0 : i32
    %c0_i32_1 = arith.constant 0 : i32
    return %c0_i32, %c0_i32_0 : i32, i32
  }
  func.func @transform_3(%arg0: i32) -> (i32, i32) {
    %c0_i32 = arith.constant 0 : i32
    %c0_i32_0 = arith.constant 0 : i32
    %c0_i32_1 = arith.constant 0 : i32
    return %c0_i32, %c0_i32_0 : i32, i32
  }
  func.func @transform_4(%arg0: i32) -> (i32, i32) {
    %c0_i32 = arith.constant 0 : i32
    %c0_i32_0 = arith.constant 0 : i32
    return %arg0, %c0_i32 : i32, i32
  }
}

module attributes {stable_mosaic.version = 14 : i64} {
  func.func @_final_body(%arg0: i32, %arg1: memref<2x1000x144xf32, #tpu.memory_space<vmem>>, %arg2: memref<1000x128xf32, #tpu.memory_space<vmem>>) attributes {dimension_semantics = [#tpu.dimension_semantics<arbitrary>], iteration_bounds = array<i64: 10>, scalar_prefetch = 0 : i64, scratch_operands = 0 : i64, tpu.core_type = #tpu.core_type<tc>, window_params = [{transform_indices = @transform_0, window_bounds = array<i64: 2, 1000, 144>}, {transform_indices = @transform_1, window_bounds = array<i64: 1000, 128>}]} {
    %get3A = arith.constant 0 : index
    %get3A_0 = arith.constant 0 : index
    %get3A_1 = arith.constant 0 : index
    %get3A_2 = vector.load %arg1[%get3A, %get3A_0, %get3A_1] : memref<2x1000x144xf32, #tpu.memory_space<vmem>>, vector<1x1000x144xf32>
    %get3A_3 = vector.shape_cast %get3A_2 : vector<1x1000x144xf32> to vector<1000x144xf32>
    %get3A_4 = arith.constant 1 : index
    %get3A_5 = arith.constant 0 : index
    %get3A_6 = arith.constant 0 : index
    %get3A_7 = vector.load %arg1[%get3A_4, %get3A_5, %get3A_6] : memref<2x1000x144xf32, #tpu.memory_space<vmem>>, vector<1x1000x144xf32>
    %get3A_8 = vector.shape_cast %get3A_7 : vector<1x1000x144xf32> to vector<1000x144xf32>
    %add3A = arith.addf %get3A_3, %get3A_8 : vector<1000x144xf32>
    %slice3A = vector.extract_strided_slice %add3A {offsets = [0, 0], sizes = [1000, 128], strides = [1, 1]} : vector<1000x144xf32> to vector<1000x128xf32>
    %slice3A_9 = vector.extract_strided_slice %add3A {offsets = [0, 128], sizes = [1000, 1], strides = [1, 1]} : vector<1000x144xf32> to vector<1000x1xf32>
    %max3A = arith.constant 1.000000e+00 : f32
    %max3A_10 = vector.broadcast %max3A : f32 to vector<1000x1xf32>
    %max3A_11 = arith.maximumf %slice3A_9, %max3A_10 : vector<1000x1xf32>
    %div3A = vector.broadcast %max3A_11 : vector<1000x1xf32> to vector<1000x128xf32>
    %div3A_12 = arith.divf %slice3A, %div3A : vector<1000x128xf32>
    %max3A_13 = arith.constant 0.000000e+00 : f32
    %max3A_14 = vector.broadcast %max3A_13 : f32 to vector<1000x128xf32>
    %max3A_15 = arith.maximumf %div3A_12, %max3A_14 : vector<1000x128xf32>
    %swap3A = arith.constant 0 : index
    %swap3A_16 = arith.constant 0 : index
    %swap3A_17 = vector.load %arg2[%swap3A, %swap3A_16] : memref<1000x128xf32, #tpu.memory_space<vmem>>, vector<1000x128xf32>
    tpu.vector_store %arg2[%swap3A, %swap3A_16], %max3A_15 {strides = array<i32>} : memref<1000x128xf32, #tpu.memory_space<vmem>>, vector<1000x128xf32>,
    return
  }
  func.func @transform_0(%arg0: i32) -> (i32, i32, i32) {
    %c0_i32 = arith.constant 0 : i32
    %c0_i32_0 = arith.constant 0 : i32
    %c0_i32_1 = arith.constant 0 : i32
    return %c0_i32, %arg0, %c0_i32_0 : i32, i32, i32
  }
  func.func @transform_1(%arg0: i32) -> (i32, i32) {
    %c0_i32 = arith.constant 0 : i32
    %c0_i32_0 = arith.constant 0 : i32
    return %arg0, %c0_i32 : i32, i32
  }
}

</mosaic_0001>

<sc_bundles>
// kernel: kernel.10.cloned.1.call-start
scs
__scs_entry_jumppad:
0x0: {  	(pc) =	sbr.rel $0x88, $3  }
0x1: {  	(tag) =	ssettag $0x0;
	lr =	simm.s32 $0x1  }
0x2: {  	[smem:$0x3F9A] =	sst lr;
	_ =	strace $0xD0000000  }
0x3: {  	_ = 	snop  }
0x4: {  	_ = 	snop  }
0x5: {  	_ = 	snop  }
0x6: {  	_ = 	snop  }
0x7: {  	_ = 	snop  }
__scs_overlays_trampoline_lowered:
0x8: {  	[smem:$0x3FA9] =	sst s0  }
0x9: {  	[smem:$0x3FAA] =	sst s1  }
0xa: {  	[smem:$0x3FAB] =	sst s2  }
0xb: {  	[smem:$0x3FAC] =	sst s3  }
0xc: {  	[smem:$0x3FAD] =	sst s4  }
0xd: {  	[smem:$0x3FAE] =	sst s5  }
0xe: {  	[smem:$0x3FAF] =	sst s6  }
0xf: {  	[smem:$0x3FB0] =	sst s7  }
0x10: {  	[smem:$0x3FB1] =	sst s8  }
0x11: {  	[smem:$0x3FB2] =	sst s9;
	s0 =	simm.s32 @!p0 $0x0  }
0x12: {  	s1 =	sld [smem:$0x3F98];
	s0 =	simm.s32 @p0 $0x1  }
0x13: {  	[smem:$0x3FB3] =	sst s0;
	s0 =	simm.s32 @!p1 $0x0  }
0x14: {  	s2 =	sld [smem:$0x3F97];
	s0 =	simm.s32 @p1 $0x1  }
0x15: {  	[smem:$0x3FB4] =	sst s0;
	s0 =	simm.s32 @!p2 $0x0  }
0x16: {  	s3 =	sld [smem:$0x3FDB];
	s0 =	simm.s32 @p2 $0x1  }
0x17: {  	s4 =	simm.s32 $0x1BF5;
	[smem:$0x3FB6] =	sst s0  }
0x18: {  	s0 =	sld [smem:$0x3F99];
	_ =	swait.ge [sflag:s4], $0x0  }
0x19: {  	s7 =	sld [smem:$0x3F9A]  }
0x1a: {  	s8 =	sadd.s32 $0xFFFFE003, lr  }
0x1b: {  	s9 =	sadd.s32 $0xFFFFFEF7, lr;
	s5 =	simm.s32 $0xFFFFFFFF;
	p2 =	slt.u32 s8, $0xFFFFF086  }
0x1c: {  	p1 =	slt.u32 s9, $0xF7A;
	s5 =	simm.s32 @!p2 $0x0  }
0x1d: {  	s5 =	simm.s32 @p1 $0x1;
	p0 =	seq.s32 s7, s2  }
0x1e: {  	s7 =	smul.u32 @!p0 $0xF7A, s2;
	p2 =	seq.s32 @!p0 s5, $0x0  }
0x1f: {  	s9 =	smul.u32 $0xF7A, s1;
	s8 =	simm.s32 @!p0 $0x1BF5;
	p2 =	por !p2, p0  }
0x20: {  	[sflag:s8] =	ssyncset.s32 @!p0 $0xFFFFF086;
	s6 =	sadd.s32 @!p0 s3, s7;
	s7 =	simm.s32 @!p0 $0x108  }
0x21: {  	s3 =	sadd.s32 s3, s9;
	s6 =	sadd.s32 @!p0 $0x88, s6;
	s7 =	simm.s32 @p2 $0x1082  }
0x22: {  	[simem:s7], [sflag:s8] =	dma.local @!p0 [hbm:s6], $0xF7A  }
0x23: {  	s9 =	sor.u32 $0xD0000000, s2;
	s6 =	simm.s32 $0x108;
	_ =	swait.ge @!p0 [sflag:s8], $0x0  }
0x24: {  	s3 =	sadd.s32 $0x88, s3;
	s6 =	simm.s32 @!p1 $0x1082;
	[sflag:s4] =	ssyncset.s32 $0xFFFFF086  }
0x25: {  	[simem:s6], [sflag:s4] =	dma.local [hbm:s3], $0xF7A  }
0x26: {  	[smem:$0x3F9A] =	sst s1;
	(tag) =	ssettag s2;
	_ =	strace s9  }
0x27: {  	s1 =	sld [smem:$0x3FAA]  }
0x28: {  	s2 =	sld [smem:$0x3FAB]  }
0x29: {  	s4 =	sld [smem:$0x3FAD]  }
0x2a: {  	p0 =	seq.s32 s5, $0x0;
	s5 =	sld [smem:$0x3FAE]  }
0x2b: {  	s6 =	sld [smem:$0x3FAF]  }
0x2c: {  	s7 =	sld [smem:$0x3FB0]  }
0x2d: {  	s3 =	simm.s32 $0x108;
	s8 =	sld [smem:$0x3FB1]  }
0x2e: {  	s3 =	simm.s32 @!p0 $0x1082;
	s9 =	sld [smem:$0x3FB2]  }
0x2f: {  	lr =	sadd.s32 s0, s3;
	s0 =	sld [smem:$0x3FA9]  }
0x30: {  	s3 =	sld [smem:$0x3FAC]  }
0x31: {  	[smem:$0x3FB5] =	sst s10  }
0x32: {  	s10 =	sld [smem:$0x3FB3];
	_ =	sdelay $0x3  }
0x33: {  	p0 =	seq.s32 s10, $0x1;
	s10 =	sld [smem:$0x3FB5];
	_ =	sdelay $0x3  }
0x34: {  	[smem:$0x3FB5] =	sst s10  }
0x35: {  	s10 =	sld [smem:$0x3FB4];
	_ =	sdelay $0x3  }
0x36: {  	p1 =	seq.s32 s10, $0x1;
	s10 =	sld [smem:$0x3FB5];
	_ =	sdelay $0x3  }
0x37: {  	[smem:$0x3FB5] =	sst s10  }
0x38: {  	s10 =	sld [smem:$0x3FB6]  }
0x39: {  	_ = 	snop;
	(pc) =	sbr.ind lr, $3  }
0x3a: {  	_ = 	snop  }
0x3b: {  	_ = 	snop  }
0x3c: {  	p2 =	seq.s32 s10, $0x1;
	s10 =	sld [smem:$0x3FB5]  }
0x3d: {  	_ =	shalt  }
0x3e: {  	_ =	shalt  }
0x3f: {  	_ =	shalt  }
0x40: {  	_ =	shalt  }
0x41: {  	_ =	shalt  }
0x42: {  	_ =	shalt  }
0x43: {  	_ =	shalt  }
0x44: {  	_ =	shalt  }
0x45: {  	_ =	shalt  }
0x46: {  	_ =	shalt  }
0x47: {  	_ =	shalt  }
0x48: {  	_ =	shalt  }
0x49: {  	_ =	shalt  }
0x4a: {  	_ =	shalt  }
0x4b: {  	_ =	shalt  }
0x4c: {  	_ =	shalt  }
0x4d: {  	_ =	shalt  }
0x4e: {  	_ =	shalt  }
0x4f: {  	_ =	shalt  }
0x50: {  	_ =	shalt  }
0x51: {  	_ =	shalt  }
0x52: {  	_ =	shalt  }
0x53: {  	_ =	shalt  }
0x54: {  	_ =	shalt  }
0x55: {  	_ =	shalt  }
0x56: {  	_ =	shalt  }
0x57: {  	_ =	shalt  }
0x58: {  	_ =	shalt  }
0x59: {  	_ =	shalt  }
0x5a: {  	_ =	shalt  }
0x5b: {  	_ =	shalt  }
0x5c: {  	_ =	shalt  }
0x5d: {  	_ =	shalt  }
0x5e: {  	_ =	shalt  }
0x5f: {  	_ =	shalt  }
0x60: {  	_ =	shalt  }
0x61: {  	_ =	shalt  }
0x62: {  	_ =	shalt  }
0x63: {  	_ =	shalt  }
0x64: {  	_ =	shalt  }
0x65: {  	_ =	shalt  }
0x66: {  	_ =	shalt  }
0x67: {  	_ =	shalt  }
0x68: {  	_ =	shalt  }
0x69: {  	_ =	shalt  }
0x6a: {  	_ =	shalt  }
0x6b: {  	_ =	shalt  }
0x6c: {  	_ =	shalt  }
0x6d: {  	_ =	shalt  }
0x6e: {  	_ =	shalt  }
0x6f: {  	_ =	shalt  }
0x70: {  	_ =	shalt  }
0x71: {  	_ =	shalt  }
0x72: {  	_ =	shalt  }
0x73: {  	_ =	shalt  }
0x74: {  	_ =	shalt  }
0x75: {  	_ =	shalt  }
0x76: {  	_ =	shalt  }
0x77: {  	_ =	shalt  }
0x78: {  	_ =	shalt  }
0x79: {  	_ =	shalt  }
0x7a: {  	_ =	shalt  }
0x7b: {  	_ =	shalt  }
0x7c: {  	_ =	shalt  }
0x7d: {  	_ =	shalt  }
0x7e: {  	_ =	shalt  }
0x7f: {  	_ =	shalt  }
0x80: {  	_ =	shalt  }
0x81: {  	_ =	shalt  }
0x82: {  	_ =	shalt  }
0x83: {  	_ =	shalt  }
0x84: {  	_ =	shalt  }
0x85: {  	_ =	shalt  }
0x86: {  	_ =	shalt  }
0x87: {  	_ =	shalt  }
.Lfunc_end0:
.L_simem_size_0:
called_computation.1_lowered:
.L_overlay_start_0:
0x88: {  	s2 =	sld [smem:$0x3FD9]  }
0x89: {  	s3 =	sld [smem:$0x3FFE];
	_ =	sdelay $0x1  }
0x8a: {  	s1 =	srdreg.scid  }
0x8b: {  	s0 =	sand.u32 $0x1, s1  }
0x8c: {  	s17 =	sshll.u32 s0, $0xA;
	s2 =	sadd.s32 s3, s2  }
0x8d: {  	s2 =	sadd.s32 s2, s17  }
0x8e: {  	[smem:$0x3FC1] =	sst s2  }
0x8f: {  	_ = 	snop  }
0x90: {  	s2 =	sld [smem:$0x3FD0];
	(tm) =	ssettm $0x1  }
0x91: {  	s18 =	sld [smem:$0x3FFB];
	_ =	sdelay $0x3  }
0x92: {  	_ =	strace s18  }
0x93: {  	s3 =	sld [smem:$0x3FFC];
	_ =	sdelay $0x3  }
0x94: {  	_ =	strace s3  }
0x95: {  	s3 =	sld [smem:$0x3FFD];
	_ =	sdelay $0x3  }
0x96: {  	_ =	strace s3  }
0x97: {  	_ =	strace $0x8FFFFFFF  }
0x98: {  	s19 =	sld [smem:$0x3FDB];
	_ =	sdelay $0x1  }
0x99: {  	s4 =	simm.s32 $_scs_section_size  }
0x9a: {  	s5 =	simm.s32 $_size__tile_overlayer_lowered;
	s6 =	simm.s32 $_tile_overlayer_lowered  }
0x9b: {  	s22 =	simm.s32 $0x1BFF;
	s21 =	sshll.u32 s6, $0x1;
	s3 =	sadd.s32 s4, s19  }
0x9c: {  	s7 =	simm.s32 $0x0;
	s20 =	sshll.u32 s5, $0x1;
	s5 =	sadd.s32 s21, s3  }
0x9d: {  	[timem:s7], [sflag:s22] =	dma.local [hbm:s5], s20  }
0x9e: {  	_ =	swait.ge [sflag:s22], s20  }
0x9f: {  	s4 =	ssub.s32 $0x0, s20;
	[sflag:s22] =	ssyncset.done $0x0  }
0xa0: {  	[sflag:s22] =	ssyncadd.s32 s4;
	_ =	sdelay $0x1  }
0xa1: {  	s23 =	simm.s32 $0x1B8B  }
0xa2: {  	_ =	swait.ge [sflag:s23], $0x1  }
0xa3: {  	[sflag:s23] =	ssyncset.done $0x0  }
0xa4: {  	s25 =	simm.s32 $0x1B8E;
	s24 =	sld [smem:$0x3FFE];
	[sflag:s23] =	ssyncadd.s32 $0xFFFFFFFF  }
0xa5: {  	s26 =	simm.s32 $execute0_lowered;
	[smem:$0x3FD2] =	sst s25  }
0xa6: {  	s5 =	sshll.u32 s26, $0x1;
	_ =	strace $0x80000049;
	[dreg:$0x1] =	wrdreg $0xFFFFFFFF  }
0xa7: {  	s28 =	simm.s32 $_size_execute0_lowered;
	s3 =	sadd.s32 s3, s5;
	[dreg:$0x0] =	wrdreg $0x0  }
0xa8: {  	s5 =	sshll.u32 s28, $0x1;
	[dreg:$0x2] =	wrdreg s3  }
0xa9: {  	[dreg:$0x3] =	wrdreg s5  }
0xaa: {  	[dreg:$0x4] =	wrdreg $0xC0  }
0xab: {  	_ =	task [dreg:s7], $0x5FFFF  }
0xac: {  	[dreg:$0x1] =	wrdreg $0xFFFFFFFF  }
0xad: {  	[dreg:$0x0] =	wrdreg $0x60  }
0xae: {  	[dreg:$0x2] =	wrdreg s24  }
0xaf: {  	[dreg:$0x3] =	wrdreg s2  }
0xb0: {  	[dreg:$0x4] =	wrdreg $0x7B200  }
0xb1: {  	[dreg:$0x5] =	wrdreg $0x9  }
0xb2: {  	_ =	task.clear_ibuf [dreg:s7], $0x6FFFF;
	_ =	strace $0x90000049  }
0xb3: {  	s29 =	simm.s32 $0x9;
	_ =	strace $0x8000004B  }
0xb4: {  	_ =	swait.ge [sflag:s29], $0x1  }
0xb5: {  	[sflag:s29] =	ssyncadd.s32 $0xFFFFFFFF  }
0xb6: {  	_ =	strace $0x9000004B  }
0xb7: {  	_ =	sfence  }
0xb8: {  	s30 =	sld [smem:$0x0];
	_ =	sdelay $0x2  }
0xb9: {  	s31 =	sshll.u32 s1, $0xD;
	s1 =	sshrl.u32 s1, $0x2  }
0xba: {  	s3 =	sand.u32 $0x4000, s31;
	s1 =	sadd.s32 s1, s30  }
0xbb: {  	s0 =	sor.u32 s3, s0;
	s1 =	sshll.u32 s1, $0x11  }
0xbc: {  	s0 =	sor.u32 s1, s0  }
0xbd: {  	s0 =	sadd.s32 $0x8F2B, s0  }
0xbe: {  	[sflag:s0] =	ssyncadd.remote.s32 $0x1  }
0xbf: {  	_ =	sfence.sel $0xFFFF  }
0xc0: {  	[dreg:$0x0] =	wrdreg $0xFFFFFFFF;
	(pc) =	sbr.abs _section_cstart, $3  }
0xc1: {  	[dreg:$0x1] =	wrdreg $0xFFFFFFFF  }
0xc2: {  	_ =	task.clear_ibuf [dreg:s7], $0x2FFFF;
	_ =	strace $0x9FFFFFFF  }
0xc3: {  	(tm) =	ssettm $0x7FFFFFFF  }
tec
execute0_lowered:
.L_overlay_start_1:
0x0: {  	(tag) =	ssettag $0x1  }
0x1: {  	s6 =	rddreg [dreg:$0x0]  }
0x2: {  	s0 =	srdreg.scid;
	s7 =	rddreg [dreg:$0x1]  }
0x3: {  	s2 =	rddreg [dreg:$0x2];
	s3 =	simm.s32 $0x0;
	s15 =	simm.s32 $0x4E20  }
0x4: {  	s16 =	simm.s32 $0x64A0;
	s17 =	simm.s32 $0x1;
	s18 =	simm.s32 $0x2  }
0x5: {  	s19 =	simm.s32 $0x0;
	s5 =	sand.u32 $0x1, s0;
	s0 =	stileid.u32  }
0x6: {  	[smem:$0x7FF] =	sst s3;
	s4 =	sadd.s32 $0xAA00, s6;
	s9 =	smul.u32 $0x16800, s0  }
0x7: {  	s1 =	sshll.u32 s5, $0x4;
	s10 =	smul.u32 $0x168000, s5;
	s5 =	ssub.s32 $0x2, s5  }
0x8: {  	s31 =	sshll.u32 s0, $0x6;
	s1 =	sor.u32 s0, s1;
	s30 =	sshrl.u32 s5, $0x1  }
0x9: {  	s8 =	smul.u32 $0x4E2, s1;
	s1 =	rddreg [dreg:$0x3];
	_ =	strace $0x8000004A  }
0xa: {  	s10 =	sadd.s32 s9, s10;
	s12 =	sshrl.u32 s9, $0x3;
	s13 =	ssub.s32 s5, s30  }
0xb: {  	s14 =	sadd.s32 s9, s2;
	s10 =	sshrl.u32 s10, $0x3;
	s12 =	sadd.s32 s12, s6  }
0xc: {  	s11 =	sadd.s32 s8, s6;
	s10 =	sadd.s32 s10, s6;
	s5 =	sadd.s32 $0x36A00, s12  }
0xd: {  	s6 =	sor.u32 $0x1C03, s31;
	s7 =	sadd.s32 s7, s8;
	s12 =	simm.s32 $0x3  }
0xe: {  	s8 =	sadd.s32 $0xC00, s11;
	s9 =	sadd.s32 $0x63A00, s10;
	s10 =	smax.u32 s13, $0x1  }
0xf: {  	s11 =	sshrl.u32 s14, $0x3;
	s13 =	simm.s32 $0x2710;
	s14 =	simm.s32 $0x28  }
.LBB2_1:
0x10: {  	[spmem:s11], [sflag:s6] =	dma.local [hbm:s5], $0x2D00  }
0x11: {  	_ =	swait.ge [sflag:s12], $0x2D00  }
0x12: {  	[sflag:s12] =	ssyncset.done $0x0  }
0x13: {  	[sflag:s12] =	ssyncadd.s32 $0xFFFFD300  }
0x14: {  	[tilespmem:s3], [sflag:$0x3] =	stream.linear.gather [hbm4b:s7+s3], $0x2710, $0x38;
	[tilespmem:$0x1E320] =	vst v63  }
0x15: {  	_ =	swait.ge [sflag:s12], $0x2710  }
0x16: {  	[sflag:s12] =	ssyncset.done $0x0  }
0x17: {  	[sflag:s12] =	ssyncadd.s32 $0xFFFFD8F0  }
0x18: {  	[tilespmem:s13], [sflag:$0x3] =	stream.linear.gather [hbm4b:s8+s3], $0x2710, $0x38;
	[tilespmem:$0x1E320] =	vst v63  }
0x19: {  	_ =	swait.ge [sflag:s12], $0x2710  }
0x1a: {  	[sflag:s12] =	ssyncset.done $0x0  }
0x1b: {  	[sflag:s12] =	ssyncadd.s32 $0xFFFFD8F0  }
0x1c: {  	s20 =	simm.s32 $0x0;
	[bflag:$0x0] =	sbarrier.arrive $0xFFFF  }
0x1d: {  	[tilespmem:s15], [sflag:$0x1] =	stream.indirect.gather [hbm4b:s4+s14], $0x90, s20, s14, $0xb8;
	[tilespmem:$0x1E320] =	vst v63  }
0x1e: {  	s29 =	simm.s32 $0x28  }
0x1f: {  	[tilespmem:s16], [sflag:$0x2] =	stream.indirect.gather [hbm4b:s4+s14], $0x90, s29, s14, $0xb8;
	[tilespmem:$0x1E320] =	vst v63  }
0x20: {  	_ =	swait.ge [sflag:s17], $0x1680  }
0x21: {  	[sflag:s17] =	ssyncset.done $0x0  }
0x22: {  	[sflag:s17] =	ssyncadd.s32 $0xFFFFE980  }
0x23: {  	_ =	swait.ge [sflag:s18], $0x1680  }
0x24: {  	[sflag:s18] =	ssyncset.done $0x0  }
0x25: {  	s30 =	simm.s32 $0x2710;
	[sflag:s18] =	ssyncadd.s32 $0xFFFFE980  }
0x26: {  	[spmem:s2] =	stream.indirect.scatter.add.f32 [tilespmem:s15], [sflag:$0x1], $0x90, s30, s14, $0xb8;
	[tilespmem:$0x1E320] =	vst v63  }
0x27: {  	s31 =	simm.s32 $0x2738  }
0x28: {  	[spmem:s2] =	stream.indirect.scatter.add.f32 [tilespmem:s16], [sflag:$0x2], $0x90, s31, s14, $0xb8;
	[tilespmem:$0x1E320] =	vst v63  }
0x29: {  	_ =	swait.ge [sflag:s17], $0x1680  }
0x2a: {  	[sflag:s17] =	ssyncset.done $0x0  }
0x2b: {  	[sflag:s17] =	ssyncadd.s32 $0xFFFFE980  }
0x2c: {  	_ =	swait.ge [sflag:s18], $0x1680  }
0x2d: {  	s21 =	simm.s32 $0x280;
	s20 =	simm.s32 $0x140;
	[sflag:s18] =	ssyncset.done $0x0  }
.LBB2_2:
0x2e: {  	s22 =	sshra.s32 s20, $0x2  }
0x2f: {  	[sflag:s18] =	ssyncadd.s32 $0xFFFFE980;
	s20 =	smov.u32 s21;
	s23 =	sadd.s32 $0x140, s21  }
0x30: {  	[tilespmem:s15], [sflag:$0x1] =	stream.indirect.gather [hbm4b:s4+s14], $0x90, s22, s14, $0xb8;
	[tilespmem:$0x1E320] =	vst v63  }
0x31: {  	p0 =	sne.s32 s21, $0x9B00;
	s21 =	sadd.s32 $0x28, s22  }
0x32: {  	[tilespmem:s16], [sflag:$0x2] =	stream.indirect.gather [hbm4b:s4+s14], $0x90, s21, s14, $0xb8;
	[tilespmem:$0x1E320] =	vst v63  }
0x33: {  	_ =	swait.ge [sflag:s17], $0x1680  }
0x34: {  	[sflag:s17] =	ssyncset.done $0x0  }
0x35: {  	[sflag:s17] =	ssyncadd.s32 $0xFFFFE980  }
0x36: {  	_ =	swait.ge [sflag:s18], $0x1680  }
0x37: {  	[sflag:s18] =	ssyncset.done $0x0  }
0x38: {  	s21 =	sadd.s32 $0x2710, s22;
	[sflag:s18] =	ssyncadd.s32 $0xFFFFE980  }
0x39: {  	[spmem:s2] =	stream.indirect.scatter.add.f32 [tilespmem:s15], [sflag:$0x1], $0x90, s21, s14, $0xb8;
	[tilespmem:$0x1E320] =	vst v63  }
0x3a: {  	s21 =	sadd.s32 $0x2738, s22  }
0x3b: {  	[spmem:s2] =	stream.indirect.scatter.add.f32 [tilespmem:s16], [sflag:$0x2], $0x90, s21, s14, $0xb8;
	[tilespmem:$0x1E320] =	vst v63  }
.Ltmp0:
0x3c: {  	_ =	swait.ge [sflag:s17], $0x1680;
	(pc) =	sbr.rel @p0 .LBB2_2-.Ltmp0, $4  }
0x3d: {  	[sflag:s17] =	ssyncset.done $0x0  }
0x3e: {  	[sflag:s17] =	ssyncadd.s32 $0xFFFFE980  }
0x3f: {  	_ =	swait.ge [sflag:s18], $0x1680  }
0x40: {  	s21 =	smov.u32 s23;
	[sflag:s18] =	ssyncset.done $0x0  }
0x41: {  	s20 =	sshra.s32 s20, $0x2;
	[sflag:s18] =	ssyncadd.s32 $0xFFFFE980  }
0x42: {  	[tilespmem:s15], [sflag:$0x1] =	stream.indirect.gather [hbm4b:s4+s14], $0x90, s20, s14, $0xb8;
	[tilespmem:$0x1E320] =	vst v63  }
0x43: {  	s21 =	sadd.s32 $0x28, s20  }
0x44: {  	[tilespmem:s16], [sflag:$0x2] =	stream.indirect.gather [hbm4b:s4+s14], $0x90, s21, s14, $0xb8;
	[tilespmem:$0x1E320] =	vst v63  }
0x45: {  	_ =	swait.ge [sflag:s17], $0x1680  }
0x46: {  	[sflag:s17] =	ssyncset.done $0x0  }
0x47: {  	[sflag:s17] =	ssyncadd.s32 $0xFFFFE980  }
0x48: {  	_ =	swait.ge [sflag:s18], $0x1680  }
0x49: {  	[sflag:s18] =	ssyncset.done $0x0  }
0x4a: {  	s31 =	sadd.s32 $0x2710, s20;
	[sflag:s18] =	ssyncadd.s32 $0xFFFFE980  }
0x4b: {  	[spmem:s2] =	stream.indirect.scatter.add.f32 [tilespmem:s15], [sflag:$0x1], $0x90, s31, s14, $0xb8;
	[tilespmem:$0x1E320] =	vst v63  }
0x4c: {  	s20 =	sadd.s32 $0x2738, s20  }
0x4d: {  	[spmem:s2] =	stream.indirect.scatter.add.f32 [tilespmem:s16], [sflag:$0x2], $0x90, s20, s14, $0xb8;
	[tilespmem:$0x1E320] =	vst v63  }
0x4e: {  	_ =	swait.ge [sflag:s17], $0x1680  }
0x4f: {  	[sflag:s17] =	ssyncset.done $0x0  }
0x50: {  	[sflag:s17] =	ssyncadd.s32 $0xFFFFE980  }
0x51: {  	_ =	swait.ge [sflag:s18], $0x1680  }
0x52: {  	s19 =	sadd.s32 $0x1, s19;
	[sflag:s18] =	ssyncset.done $0x0  }
0x53: {  	p0 =	sne.s32 s19, s10;
	[sflag:s18] =	ssyncadd.s32 $0xFFFFE980  }
.Ltmp1:
0x54: {  	[bflag:$0x0] =	sbarrier.arrive $0xFFFF;
	(pc) =	sbr.rel @p0 .LBB2_1-.Ltmp1, $4  }
0x55: {  	[hbm:s9], [sflag:s6] =	dma.local [spmem:s11], $0x2D00  }
0x56: {  	_ =	swait.ge [sflag:s12], $0x2D00  }
0x57: {  	[sflag:s12] =	ssyncset.done $0x0  }
0x58: {  	[sflag:s12] =	ssyncadd.s32 $0xFFFFD300  }
0x59: {  	_ =	sfence.sel $0x180000  }
0x5a: {  	[bflag:$0x0] =	sbarrier.arrive $0xFFFF  }
0x5b: {  	p0 =	sne.s32 s0, $0x0;
	_ =	strace $0x9000004A  }
0x5c: {  	s0 =	sadd.s32 @!p0 $0x100000, s1;
	[bflag:$0x2] =	sbarrier.arrive $0xFFFF  }
0x5d: {  	[sflag:s0] =	ssyncadd.tile.s32 @!p0 $0x1;
	_ =	shalt  }
.Lfunc_end2:
_tile_overlayer_lowered:
.L_overlay_start_2:
0x5e: {  	(tag) =	ssettag $0x2  }
0x5f: {  	s0 =	rddreg [dreg:$0x0];
	s2 =	stileid.u32  }
0x60: {  	s1 =	rddreg [dreg:$0x1];
	p0 =	sne.s32 s2, $0x0  }
0x61: {  	s3 =	rddreg [dreg:$0x2];
	[bflag:$0x3] =	sbarrier.arrive $0xFFFF;
	s2 =	simm.s32 @!p0 $0x1C03  }
0x62: {  	[timem:s3], [sflag:s2] =	dma.local @!p0 [hbm:s0], s1  }
0x63: {  	s0 =	simm.s32 @!p0 $0x3  }
0x64: {  	_ =	swait.ge @!p0 [sflag:s0], s1  }
0x65: {  	s1 =	ssub.s32 @!p0 $0x0, s1;
	[sflag:s0] =	ssyncset.done @!p0 $0x0  }
0x66: {  	[sflag:s0] =	ssyncadd.s32 @!p0 s1  }
0x67: {  	[bflag:$0x3] =	sbarrier.arrive $0xFFFF  }
0x68: {  	_ =	shalt  }

// kernel: kernel.7.cloned.1.call-start
scs
__scs_entry_jumppad:
0x0: {  	(pc) =	sbr.rel $0x88, $3  }
0x1: {  	(tag) =	ssettag $0x0;
	lr =	simm.s32 $0x1  }
0x2: {  	[smem:$0x3F9A] =	sst lr;
	_ =	strace $0xD0000000  }
0x3: {  	_ = 	snop  }
0x4: {  	_ = 	snop  }
0x5: {  	_ = 	snop  }
0x6: {  	_ = 	snop  }
0x7: {  	_ = 	snop  }
__scs_overlays_trampoline_lowered:
0x8: {  	[smem:$0x3FA9] =	sst s0  }
0x9: {  	[smem:$0x3FAA] =	sst s1  }
0xa: {  	[smem:$0x3FAB] =	sst s2  }
0xb: {  	[smem:$0x3FAC] =	sst s3  }
0xc: {  	[smem:$0x3FAD] =	sst s4  }
0xd: {  	[smem:$0x3FAE] =	sst s5  }
0xe: {  	[smem:$0x3FAF] =	sst s6  }
0xf: {  	[smem:$0x3FB0] =	sst s7  }
0x10: {  	[smem:$0x3FB1] =	sst s8  }
0x11: {  	[smem:$0x3FB2] =	sst s9;
	s0 =	simm.s32 @!p0 $0x0  }
0x12: {  	s1 =	sld [smem:$0x3F98];
	s0 =	simm.s32 @p0 $0x1  }
0x13: {  	[smem:$0x3FB3] =	sst s0;
	s0 =	simm.s32 @!p1 $0x0  }
0x14: {  	s2 =	sld [smem:$0x3F97];
	s0 =	simm.s32 @p1 $0x1  }
0x15: {  	[smem:$0x3FB4] =	sst s0;
	s0 =	simm.s32 @!p2 $0x0  }
0x16: {  	s3 =	sld [smem:$0x3FDB];
	s0 =	simm.s32 @p2 $0x1  }
0x17: {  	s4 =	simm.s32 $0x1BF5;
	[smem:$0x3FB6] =	sst s0  }
0x18: {  	s0 =	sld [smem:$0x3F99];
	_ =	swait.ge [sflag:s4], $0x0  }
0x19: {  	s7 =	sld [smem:$0x3F9A]  }
0x1a: {  	s8 =	sadd.s32 $0xFFFFE003, lr  }
0x1b: {  	s9 =	sadd.s32 $0xFFFFFEF7, lr;
	s5 =	simm.s32 $0xFFFFFFFF;
	p2 =	slt.u32 s8, $0xFFFFF086  }
0x1c: {  	p1 =	slt.u32 s9, $0xF7A;
	s5 =	simm.s32 @!p2 $0x0  }
0x1d: {  	s5 =	simm.s32 @p1 $0x1;
	p0 =	seq.s32 s7, s2  }
0x1e: {  	s7 =	smul.u32 @!p0 $0xF7A, s2;
	p2 =	seq.s32 @!p0 s5, $0x0  }
0x1f: {  	s9 =	smul.u32 $0xF7A, s1;
	s8 =	simm.s32 @!p0 $0x1BF5;
	p2 =	por !p2, p0  }
0x20: {  	[sflag:s8] =	ssyncset.s32 @!p0 $0xFFFFF086;
	s6 =	sadd.s32 @!p0 s3, s7;
	s7 =	simm.s32 @!p0 $0x108  }
0x21: {  	s3 =	sadd.s32 s3, s9;
	s6 =	sadd.s32 @!p0 $0x88, s6;
	s7 =	simm.s32 @p2 $0x1082  }
0x22: {  	[simem:s7], [sflag:s8] =	dma.local @!p0 [hbm:s6], $0xF7A  }
0x23: {  	s9 =	sor.u32 $0xD0000000, s2;
	s6 =	simm.s32 $0x108;
	_ =	swait.ge @!p0 [sflag:s8], $0x0  }
0x24: {  	s3 =	sadd.s32 $0x88, s3;
	s6 =	simm.s32 @!p1 $0x1082;
	[sflag:s4] =	ssyncset.s32 $0xFFFFF086  }
0x25: {  	[simem:s6], [sflag:s4] =	dma.local [hbm:s3], $0xF7A  }
0x26: {  	[smem:$0x3F9A] =	sst s1;
	(tag) =	ssettag s2;
	_ =	strace s9  }
0x27: {  	s1 =	sld [smem:$0x3FAA]  }
0x28: {  	s2 =	sld [smem:$0x3FAB]  }
0x29: {  	s4 =	sld [smem:$0x3FAD]  }
0x2a: {  	p0 =	seq.s32 s5, $0x0;
	s5 =	sld [smem:$0x3FAE]  }
0x2b: {  	s6 =	sld [smem:$0x3FAF]  }
0x2c: {  	s7 =	sld [smem:$0x3FB0]  }
0x2d: {  	s3 =	simm.s32 $0x108;
	s8 =	sld [smem:$0x3FB1]  }
0x2e: {  	s3 =	simm.s32 @!p0 $0x1082;
	s9 =	sld [smem:$0x3FB2]  }
0x2f: {  	lr =	sadd.s32 s0, s3;
	s0 =	sld [smem:$0x3FA9]  }
0x30: {  	s3 =	sld [smem:$0x3FAC]  }
0x31: {  	[smem:$0x3FB5] =	sst s10  }
0x32: {  	s10 =	sld [smem:$0x3FB3];
	_ =	sdelay $0x3  }
0x33: {  	p0 =	seq.s32 s10, $0x1;
	s10 =	sld [smem:$0x3FB5];
	_ =	sdelay $0x3  }
0x34: {  	[smem:$0x3FB5] =	sst s10  }
0x35: {  	s10 =	sld [smem:$0x3FB4];
	_ =	sdelay $0x3  }
0x36: {  	p1 =	seq.s32 s10, $0x1;
	s10 =	sld [smem:$0x3FB5];
	_ =	sdelay $0x3  }
0x37: {  	[smem:$0x3FB5] =	sst s10  }
0x38: {  	s10 =	sld [smem:$0x3FB6]  }
0x39: {  	_ = 	snop;
	(pc) =	sbr.ind lr, $3  }
0x3a: {  	_ = 	snop  }
0x3b: {  	_ = 	snop  }
0x3c: {  	p2 =	seq.s32 s10, $0x1;
	s10 =	sld [smem:$0x3FB5]  }
0x3d: {  	_ =	shalt  }
0x3e: {  	_ =	shalt  }
0x3f: {  	_ =	shalt  }
0x40: {  	_ =	shalt  }
0x41: {  	_ =	shalt  }
0x42: {  	_ =	shalt  }
0x43: {  	_ =	shalt  }
0x44: {  	_ =	shalt  }
0x45: {  	_ =	shalt  }
0x46: {  	_ =	shalt  }
0x47: {  	_ =	shalt  }
0x48: {  	_ =	shalt  }
0x49: {  	_ =	shalt  }
0x4a: {  	_ =	shalt  }
0x4b: {  	_ =	shalt  }
0x4c: {  	_ =	shalt  }
0x4d: {  	_ =	shalt  }
0x4e: {  	_ =	shalt  }
0x4f: {  	_ =	shalt  }
0x50: {  	_ =	shalt  }
0x51: {  	_ =	shalt  }
0x52: {  	_ =	shalt  }
0x53: {  	_ =	shalt  }
0x54: {  	_ =	shalt  }
0x55: {  	_ =	shalt  }
0x56: {  	_ =	shalt  }
0x57: {  	_ =	shalt  }
0x58: {  	_ =	shalt  }
0x59: {  	_ =	shalt  }
0x5a: {  	_ =	shalt  }
0x5b: {  	_ =	shalt  }
0x5c: {  	_ =	shalt  }
0x5d: {  	_ =	shalt  }
0x5e: {  	_ =	shalt  }
0x5f: {  	_ =	shalt  }
0x60: {  	_ =	shalt  }
0x61: {  	_ =	shalt  }
0x62: {  	_ =	shalt  }
0x63: {  	_ =	shalt  }
0x64: {  	_ =	shalt  }
0x65: {  	_ =	shalt  }
0x66: {  	_ =	shalt  }
0x67: {  	_ =	shalt  }
0x68: {  	_ =	shalt  }
0x69: {  	_ =	shalt  }
0x6a: {  	_ =	shalt  }
0x6b: {  	_ =	shalt  }
0x6c: {  	_ =	shalt  }
0x6d: {  	_ =	shalt  }
0x6e: {  	_ =	shalt  }
0x6f: {  	_ =	shalt  }
0x70: {  	_ =	shalt  }
0x71: {  	_ =	shalt  }
0x72: {  	_ =	shalt  }
0x73: {  	_ =	shalt  }
0x74: {  	_ =	shalt  }
0x75: {  	_ =	shalt  }
0x76: {  	_ =	shalt  }
0x77: {  	_ =	shalt  }
0x78: {  	_ =	shalt  }
0x79: {  	_ =	shalt  }
0x7a: {  	_ =	shalt  }
0x7b: {  	_ =	shalt  }
0x7c: {  	_ =	shalt  }
0x7d: {  	_ =	shalt  }
0x7e: {  	_ =	shalt  }
0x7f: {  	_ =	shalt  }
0x80: {  	_ =	shalt  }
0x81: {  	_ =	shalt  }
0x82: {  	_ =	shalt  }
0x83: {  	_ =	shalt  }
0x84: {  	_ =	shalt  }
0x85: {  	_ =	shalt  }
0x86: {  	_ =	shalt  }
0x87: {  	_ =	shalt  }
.Lfunc_end0:
.L_simem_size_0:
called_computation_lowered:
.L_overlay_start_0:
0x88: {  	s2 =	sld [smem:$0x3FD9]  }
0x89: {  	s3 =	sld [smem:$0x3FFE];
	_ =	sdelay $0x1  }
0x8a: {  	s1 =	srdreg.scid  }
0x8b: {  	s0 =	sand.u32 $0x1, s1  }
0x8c: {  	s17 =	sshll.u32 s0, $0xA;
	s2 =	sadd.s32 s3, s2  }
0x8d: {  	s2 =	sadd.s32 s2, s17  }
0x8e: {  	[smem:$0x3FC1] =	sst s2  }
0x8f: {  	_ = 	snop  }
0x90: {  	s2 =	sld [smem:$0x3FD0];
	(tm) =	ssettm $0x1  }
0x91: {  	s18 =	sld [smem:$0x3FFB];
	_ =	sdelay $0x3  }
0x92: {  	_ =	strace s18  }
0x93: {  	s3 =	sld [smem:$0x3FFC];
	_ =	sdelay $0x3  }
0x94: {  	_ =	strace s3  }
0x95: {  	s3 =	sld [smem:$0x3FFD];
	_ =	sdelay $0x3  }
0x96: {  	_ =	strace s3  }
0x97: {  	_ =	strace $0x8FFFFFFF  }
0x98: {  	s19 =	sld [smem:$0x3FDB];
	_ =	sdelay $0x1  }
0x99: {  	s4 =	simm.s32 $_scs_section_size  }
0x9a: {  	s5 =	simm.s32 $_size__tile_overlayer_lowered;
	s6 =	simm.s32 $_tile_overlayer_lowered  }
0x9b: {  	s22 =	simm.s32 $0x1BFF;
	s21 =	sshll.u32 s6, $0x1;
	s3 =	sadd.s32 s4, s19  }
0x9c: {  	s7 =	simm.s32 $0x0;
	s20 =	sshll.u32 s5, $0x1;
	s5 =	sadd.s32 s21, s3  }
0x9d: {  	[timem:s7], [sflag:s22] =	dma.local [hbm:s5], s20  }
0x9e: {  	_ =	swait.ge [sflag:s22], s20  }
0x9f: {  	s4 =	ssub.s32 $0x0, s20;
	[sflag:s22] =	ssyncset.done $0x0  }
0xa0: {  	[sflag:s22] =	ssyncadd.s32 s4;
	_ =	sdelay $0x1  }
0xa1: {  	s23 =	simm.s32 $0x1B8B  }
0xa2: {  	_ =	swait.ge [sflag:s23], $0x1  }
0xa3: {  	[sflag:s23] =	ssyncset.done $0x0  }
0xa4: {  	s25 =	simm.s32 $0x1B8E;
	s24 =	sld [smem:$0x3FFE];
	[sflag:s23] =	ssyncadd.s32 $0xFFFFFFFF  }
0xa5: {  	s26 =	simm.s32 $execute0_lowered;
	[smem:$0x3FD2] =	sst s25  }
0xa6: {  	s5 =	sshll.u32 s26, $0x1;
	_ =	strace $0x80000046;
	[dreg:$0x1] =	wrdreg $0xFFFFFFFF  }
0xa7: {  	s28 =	simm.s32 $_size_execute0_lowered;
	s3 =	sadd.s32 s3, s5;
	[dreg:$0x0] =	wrdreg $0x0  }
0xa8: {  	s5 =	sshll.u32 s28, $0x1;
	[dreg:$0x2] =	wrdreg s3  }
0xa9: {  	[dreg:$0x3] =	wrdreg s5  }
0xaa: {  	[dreg:$0x4] =	wrdreg $0xC0  }
0xab: {  	_ =	task [dreg:s7], $0x5FFFF  }
0xac: {  	[dreg:$0x1] =	wrdreg $0xFFFFFFFF  }
0xad: {  	[dreg:$0x0] =	wrdreg $0x60  }
0xae: {  	[dreg:$0x2] =	wrdreg s24  }
0xaf: {  	[dreg:$0x3] =	wrdreg s2  }
0xb0: {  	[dreg:$0x4] =	wrdreg $0x7B200  }
0xb1: {  	[dreg:$0x5] =	wrdreg $0x9  }
0xb2: {  	_ =	task.clear_ibuf [dreg:s7], $0x6FFFF;
	_ =	strace $0x90000046  }
0xb3: {  	s29 =	simm.s32 $0x9;
	_ =	strace $0x80000048  }
0xb4: {  	_ =	swait.ge [sflag:s29], $0x1  }
0xb5: {  	[sflag:s29] =	ssyncadd.s32 $0xFFFFFFFF  }
0xb6: {  	_ =	strace $0x90000048  }
0xb7: {  	_ =	sfence  }
0xb8: {  	s30 =	sld [smem:$0x0];
	_ =	sdelay $0x2  }
0xb9: {  	s31 =	sshll.u32 s1, $0xD;
	s1 =	sshrl.u32 s1, $0x2  }
0xba: {  	s3 =	sand.u32 $0x4000, s31;
	s1 =	sadd.s32 s1, s30  }
0xbb: {  	s0 =	sor.u32 s3, s0;
	s1 =	sshll.u32 s1, $0x11  }
0xbc: {  	s0 =	sor.u32 s1, s0  }
0xbd: {  	s0 =	sadd.s32 $0x8F2B, s0  }
0xbe: {  	[sflag:s0] =	ssyncadd.remote.s32 $0x1  }
0xbf: {  	_ =	sfence.sel $0xFFFF  }
0xc0: {  	[dreg:$0x0] =	wrdreg $0xFFFFFFFF;
	(pc) =	sbr.abs _section_cstart, $3  }
0xc1: {  	[dreg:$0x1] =	wrdreg $0xFFFFFFFF  }
0xc2: {  	_ =	task.clear_ibuf [dreg:s7], $0x2FFFF;
	_ =	strace $0x9FFFFFFF  }
0xc3: {  	(tm) =	ssettm $0x7FFFFFFF  }
tec
execute0_lowered:
.L_overlay_start_1:
0x0: {  	(tag) =	ssettag $0x1  }
0x1: {  	s6 =	rddreg [dreg:$0x0]  }
0x2: {  	s0 =	srdreg.scid;
	s8 =	rddreg [dreg:$0x1]  }
0x3: {  	s2 =	rddreg [dreg:$0x2];
	s3 =	simm.s32 $0x0;
	s15 =	simm.s32 $0x4E20  }
0x4: {  	s16 =	simm.s32 $0x64A0;
	s17 =	simm.s32 $0x1;
	s18 =	simm.s32 $0x2  }
0x5: {  	s19 =	simm.s32 $0x0;
	s5 =	sand.u32 $0x1, s0;
	s0 =	stileid.u32  }
0x6: {  	[smem:$0x7FF] =	sst s3;
	s4 =	sadd.s32 $0xAA00, s6;
	s7 =	smul.u32 $0x16800, s0  }
0x7: {  	s1 =	sshll.u32 s5, $0x4;
	s10 =	smul.u32 $0x168000, s5;
	s5 =	ssub.s32 $0x2, s5  }
0x8: {  	s31 =	sshll.u32 s0, $0x6;
	s1 =	sor.u32 s0, s1;
	s30 =	sshrl.u32 s5, $0x1  }
0x9: {  	s9 =	smul.u32 $0x4E2, s1;
	s1 =	rddreg [dreg:$0x3];
	_ =	strace $0x80000047  }
0xa: {  	s10 =	sadd.s32 s7, s10;
	s12 =	sshrl.u32 s7, $0x3;
	s13 =	ssub.s32 s5, s30  }
0xb: {  	s14 =	sadd.s32 s7, s2;
	s10 =	sshrl.u32 s10, $0x3;
	s12 =	sadd.s32 s12, s6  }
0xc: {  	s11 =	sadd.s32 s9, s6;
	s10 =	sadd.s32 s10, s6;
	s5 =	sadd.s32 $0x36A00, s12  }
0xd: {  	s6 =	sor.u32 $0x1C03, s31;
	s8 =	sadd.s32 s8, s9;
	s12 =	simm.s32 $0x3  }
0xe: {  	s7 =	sadd.s32 $0xC00, s11;
	s9 =	sadd.s32 $0x63A00, s10;
	s10 =	smax.u32 s13, $0x1  }
0xf: {  	s11 =	sshrl.u32 s14, $0x3;
	s13 =	simm.s32 $0x2710;
	s14 =	simm.s32 $0x28  }
.LBB2_1:
0x10: {  	[spmem:s11], [sflag:s6] =	dma.local [hbm:s5], $0x2D00  }
0x11: {  	_ =	swait.ge [sflag:s12], $0x2D00  }
0x12: {  	[sflag:s12] =	ssyncset.done $0x0  }
0x13: {  	[sflag:s12] =	ssyncadd.s32 $0xFFFFD300  }
0x14: {  	[tilespmem:s3], [sflag:$0x3] =	stream.linear.gather [hbm4b:s7+s3], $0x2710, $0x38;
	[tilespmem:$0x1E320] =	vst v63  }
0x15: {  	_ =	swait.ge [sflag:s12], $0x2710  }
0x16: {  	[sflag:s12] =	ssyncset.done $0x0  }
0x17: {  	[sflag:s12] =	ssyncadd.s32 $0xFFFFD8F0  }
0x18: {  	[tilespmem:s13], [sflag:$0x3] =	stream.linear.gather [hbm4b:s8+s3], $0x2710, $0x38;
	[tilespmem:$0x1E320] =	vst v63  }
0x19: {  	_ =	swait.ge [sflag:s12], $0x2710  }
0x1a: {  	[sflag:s12] =	ssyncset.done $0x0  }
0x1b: {  	[sflag:s12] =	ssyncadd.s32 $0xFFFFD8F0  }
0x1c: {  	s20 =	simm.s32 $0x0;
	[bflag:$0x0] =	sbarrier.arrive $0xFFFF  }
0x1d: {  	[tilespmem:s15], [sflag:$0x1] =	stream.indirect.gather [hbm4b:s4+s14], $0x90, s20, s14, $0xb8;
	[tilespmem:$0x1E320] =	vst v63  }
0x1e: {  	s29 =	simm.s32 $0x28  }
0x1f: {  	[tilespmem:s16], [sflag:$0x2] =	stream.indirect.gather [hbm4b:s4+s14], $0x90, s29, s14, $0xb8;
	[tilespmem:$0x1E320] =	vst v63  }
0x20: {  	_ =	swait.ge [sflag:s17], $0x1680  }
0x21: {  	[sflag:s17] =	ssyncset.done $0x0  }
0x22: {  	[sflag:s17] =	ssyncadd.s32 $0xFFFFE980  }
0x23: {  	_ =	swait.ge [sflag:s18], $0x1680  }
0x24: {  	[sflag:s18] =	ssyncset.done $0x0  }
0x25: {  	s30 =	simm.s32 $0x2710;
	[sflag:s18] =	ssyncadd.s32 $0xFFFFE980  }
0x26: {  	[spmem:s2] =	stream.indirect.scatter.add.f32 [tilespmem:s15], [sflag:$0x1], $0x90, s30, s14, $0xb8;
	[tilespmem:$0x1E320] =	vst v63  }
0x27: {  	s31 =	simm.s32 $0x2738  }
0x28: {  	[spmem:s2] =	stream.indirect.scatter.add.f32 [tilespmem:s16], [sflag:$0x2], $0x90, s31, s14, $0xb8;
	[tilespmem:$0x1E320] =	vst v63  }
0x29: {  	_ =	swait.ge [sflag:s17], $0x1680  }
0x2a: {  	[sflag:s17] =	ssyncset.done $0x0  }
0x2b: {  	[sflag:s17] =	ssyncadd.s32 $0xFFFFE980  }
0x2c: {  	_ =	swait.ge [sflag:s18], $0x1680  }
0x2d: {  	s21 =	simm.s32 $0x280;
	s20 =	simm.s32 $0x140;
	[sflag:s18] =	ssyncset.done $0x0  }
.LBB2_2:
0x2e: {  	s22 =	sshra.s32 s20, $0x2  }
0x2f: {  	[sflag:s18] =	ssyncadd.s32 $0xFFFFE980;
	s20 =	smov.u32 s21;
	s23 =	sadd.s32 $0x140, s21  }
0x30: {  	[tilespmem:s15], [sflag:$0x1] =	stream.indirect.gather [hbm4b:s4+s14], $0x90, s22, s14, $0xb8;
	[tilespmem:$0x1E320] =	vst v63  }
0x31: {  	p0 =	sne.s32 s21, $0x9B00;
	s21 =	sadd.s32 $0x28, s22  }
0x32: {  	[tilespmem:s16], [sflag:$0x2] =	stream.indirect.gather [hbm4b:s4+s14], $0x90, s21, s14, $0xb8;
	[tilespmem:$0x1E320] =	vst v63  }
0x33: {  	_ =	swait.ge [sflag:s17], $0x1680  }
0x34: {  	[sflag:s17] =	ssyncset.done $0x0  }
0x35: {  	[sflag:s17] =	ssyncadd.s32 $0xFFFFE980  }
0x36: {  	_ =	swait.ge [sflag:s18], $0x1680  }
0x37: {  	[sflag:s18] =	ssyncset.done $0x0  }
0x38: {  	s21 =	sadd.s32 $0x2710, s22;
	[sflag:s18] =	ssyncadd.s32 $0xFFFFE980  }
0x39: {  	[spmem:s2] =	stream.indirect.scatter.add.f32 [tilespmem:s15], [sflag:$0x1], $0x90, s21, s14, $0xb8;
	[tilespmem:$0x1E320] =	vst v63  }
0x3a: {  	s21 =	sadd.s32 $0x2738, s22  }
0x3b: {  	[spmem:s2] =	stream.indirect.scatter.add.f32 [tilespmem:s16], [sflag:$0x2], $0x90, s21, s14, $0xb8;
	[tilespmem:$0x1E320] =	vst v63  }
.Ltmp0:
0x3c: {  	_ =	swait.ge [sflag:s17], $0x1680;
	(pc) =	sbr.rel @p0 .LBB2_2-.Ltmp0, $4  }
0x3d: {  	[sflag:s17] =	ssyncset.done $0x0  }
0x3e: {  	[sflag:s17] =	ssyncadd.s32 $0xFFFFE980  }
0x3f: {  	_ =	swait.ge [sflag:s18], $0x1680  }
0x40: {  	s21 =	smov.u32 s23;
	[sflag:s18] =	ssyncset.done $0x0  }
0x41: {  	s20 =	sshra.s32 s20, $0x2;
	[sflag:s18] =	ssyncadd.s32 $0xFFFFE980  }
0x42: {  	[tilespmem:s15], [sflag:$0x1] =	stream.indirect.gather [hbm4b:s4+s14], $0x90, s20, s14, $0xb8;
	[tilespmem:$0x1E320] =	vst v63  }
0x43: {  	s21 =	sadd.s32 $0x28, s20  }
0x44: {  	[tilespmem:s16], [sflag:$0x2] =	stream.indirect.gather [hbm4b:s4+s14], $0x90, s21, s14, $0xb8;
	[tilespmem:$0x1E320] =	vst v63  }
0x45: {  	_ =	swait.ge [sflag:s17], $0x1680  }
0x46: {  	[sflag:s17] =	ssyncset.done $0x0  }
0x47: {  	[sflag:s17] =	ssyncadd.s32 $0xFFFFE980  }
0x48: {  	_ =	swait.ge [sflag:s18], $0x1680  }
0x49: {  	[sflag:s18] =	ssyncset.done $0x0  }
0x4a: {  	s31 =	sadd.s32 $0x2710, s20;
	[sflag:s18] =	ssyncadd.s32 $0xFFFFE980  }
0x4b: {  	[spmem:s2] =	stream.indirect.scatter.add.f32 [tilespmem:s15], [sflag:$0x1], $0x90, s31, s14, $0xb8;
	[tilespmem:$0x1E320] =	vst v63  }
0x4c: {  	s20 =	sadd.s32 $0x2738, s20  }
0x4d: {  	[spmem:s2] =	stream.indirect.scatter.add.f32 [tilespmem:s16], [sflag:$0x2], $0x90, s20, s14, $0xb8;
	[tilespmem:$0x1E320] =	vst v63  }
0x4e: {  	_ =	swait.ge [sflag:s17], $0x1680  }
0x4f: {  	[sflag:s17] =	ssyncset.done $0x0  }
0x50: {  	[sflag:s17] =	ssyncadd.s32 $0xFFFFE980  }
0x51: {  	_ =	swait.ge [sflag:s18], $0x1680  }
0x52: {  	s19 =	sadd.s32 $0x1, s19;
	[sflag:s18] =	ssyncset.done $0x0  }
0x53: {  	p0 =	sne.s32 s19, s10;
	[sflag:s18] =	ssyncadd.s32 $0xFFFFE980  }
.Ltmp1:
0x54: {  	[bflag:$0x0] =	sbarrier.arrive $0xFFFF;
	(pc) =	sbr.rel @p0 .LBB2_1-.Ltmp1, $4  }
0x55: {  	[hbm:s9], [sflag:s6] =	dma.local [spmem:s11], $0x2D00  }
0x56: {  	_ =	swait.ge [sflag:s12], $0x2D00  }
0x57: {  	[sflag:s12] =	ssyncset.done $0x0  }
0x58: {  	[sflag:s12] =	ssyncadd.s32 $0xFFFFD300  }
0x59: {  	_ =	sfence.sel $0x180000  }
0x5a: {  	[bflag:$0x0] =	sbarrier.arrive $0xFFFF  }
0x5b: {  	p0 =	sne.s32 s0, $0x0;
	_ =	strace $0x90000047  }
0x5c: {  	s0 =	sadd.s32 @!p0 $0x100000, s1;
	[bflag:$0x2] =	sbarrier.arrive $0xFFFF  }
0x5d: {  	[sflag:s0] =	ssyncadd.tile.s32 @!p0 $0x1;
	_ =	shalt  }
.Lfunc_end2:
_tile_overlayer_lowered:
.L_overlay_start_2:
0x5e: {  	(tag) =	ssettag $0x2  }
0x5f: {  	s0 =	rddreg [dreg:$0x0];
	s2 =	stileid.u32  }
0x60: {  	s1 =	rddreg [dreg:$0x1];
	p0 =	sne.s32 s2, $0x0  }
0x61: {  	s3 =	rddreg [dreg:$0x2];
	[bflag:$0x3] =	sbarrier.arrive $0xFFFF;
	s2 =	simm.s32 @!p0 $0x1C03  }
0x62: {  	[timem:s3], [sflag:s2] =	dma.local @!p0 [hbm:s0], s1  }
0x63: {  	s0 =	simm.s32 @!p0 $0x3  }
0x64: {  	_ =	swait.ge @!p0 [sflag:s0], s1  }
0x65: {  	s1 =	ssub.s32 @!p0 $0x0, s1;
	[sflag:s0] =	ssyncset.done @!p0 $0x0  }
0x66: {  	[sflag:s0] =	ssyncadd.s32 @!p0 s1  }
0x67: {  	[bflag:$0x3] =	sbarrier.arrive $0xFFFF  }
0x68: {  	_ =	shalt  }

</sc_bundles>
